<compile_context>
chip_gen: v7x
topology: tpu7x:2x2x1
jax: 0.10.2.dev20260603
libtpu: 0.0.44.dev20260713+nightly
codegen_flags: <defaults>
</compile_context>

<pallas_src>
import functools

import jax
import jax.numpy as jnp
from jax import lax
from jax.experimental import pallas as pl
from jax.experimental.pallas import tpu as pltpu
from jax.experimental.pallas import tpu_sc as plsc

N = 10000
E = 320000
D = 128
H = 128
B = 64

NC = 2
NS = 16
NW = NC * NS
EPW = E // NW
CHUNK = 80
NCHUNK = EPW // CHUNK
ROWS_PT = N // NS


def _sc_mesh():
    return plsc.VectorSubcoreMesh(
        core_axis_name="c", subcore_axis_name="s",
        num_cores=NC, num_subcores=NS)


@functools.partial(
    pl.kernel,
    out_type=jax.ShapeDtypeStruct((NW, N), jnp.float32),
    mesh=_sc_mesh(),
    scratch_types=[
        pltpu.VMEM((EPW,), jnp.int32),
        pltpu.VMEM((N,), jnp.float32),
    ],
    compiler_params=pltpu.CompilerParams(needs_layout_passes=False),
)
def _deg(dst_hbm, out_hbm, dst_v, hist_v):
    cid = lax.axis_index("c")
    sid = lax.axis_index("s")
    wid = cid * NS + sid
    pltpu.sync_copy(dst_hbm.at[wid], dst_v)

    zeros = jnp.zeros((16,), jnp.float32)

    def zbody(i, carry):
        hist_v[pl.ds(i * 16, 16)] = zeros
        return carry

    lax.fori_loop(0, N // 16, zbody, 0, unroll=8)

    ones = jnp.ones((16,), jnp.float32)

    def abody(i, carry):
        idx = dst_v[pl.ds(i * 16, 16)]
        plsc.addupdate_scatter(hist_v, [idx], ones)
        return carry

    lax.fori_loop(0, EPW // 16, abody, 0, unroll=8)
    pltpu.sync_copy(hist_v, out_hbm.at[wid])


@functools.partial(
    pl.kernel,
    out_type=jax.ShapeDtypeStruct((NC, N, H), jnp.float32),
    mesh=_sc_mesh(),
    scratch_types=[
        pltpu.VMEM((NCHUNK, CHUNK), jnp.int32),
        pltpu.VMEM((NCHUNK, CHUNK), jnp.int32),
        pltpu.VMEM((CHUNK, H), jnp.float32),
        pltpu.VMEM((CHUNK, H), jnp.float32),
        pltpu.VMEM((CHUNK, H), jnp.float32),
        pltpu.VMEM_SHARED((N, H), jnp.float32),
        pltpu.SemaphoreType.DMA,
        pltpu.SemaphoreType.DMA,
        pltpu.SemaphoreType.DMA,
        pltpu.SemaphoreType.DMA,
        pltpu.SemaphoreType.DMA,
        pltpu.SemaphoreType.DMA,
    ],
    compiler_params=pltpu.CompilerParams(
        needs_layout_passes=False, use_tc_tiling_on_sc=False),
)
def _scatter(g_hbm, src_hbm, dst_hbm, z_hbm, out_hbm,
             src_v, dst_v, buf0, buf1, buf2, acc,
             gsem0, gsem1, gsem2, ssem0, ssem1, ssem2):
    cid = lax.axis_index("c")
    sid = lax.axis_index("s")
    wid = cid * NS + sid
    base = sid * ROWS_PT
    bufs = (buf0, buf1, buf2)
    gsems = (gsem0, gsem1, gsem2)
    ssems = (ssem0, ssem1, ssem2)

    @pl.when(cid == 0)
    def _():
        pltpu.async_copy(g_hbm.at[pl.ds(base, ROWS_PT)],
                         acc.at[pl.ds(base, ROWS_PT)], gsem0)

    @pl.when(cid == 1)
    def _():
        pltpu.async_copy(z_hbm, acc.at[pl.ds(base, ROWS_PT)], gsem0)

    pltpu.sync_copy(src_hbm.at[wid], src_v)
    pltpu.sync_copy(dst_hbm.at[wid], dst_v)
    pltpu.make_async_copy(
        g_hbm.at[pl.ds(base, ROWS_PT)], acc.at[pl.ds(base, ROWS_PT)],
        gsem0).wait()
    plsc.subcore_barrier()

    def gissue(j, k):
        pltpu.async_copy(g_hbm.at[src_v.at[j]], bufs[k], gsems[k])

    def gwait(k):
        pltpu.make_async_copy(g_hbm.at[src_v.at[0]], bufs[k], gsems[k]).wait()

    def sissue(j, k):
        pltpu.async_copy(bufs[k], acc.at[dst_v.at[j]], ssems[k], add=True)

    def swait(k):
        pltpu.make_async_copy(bufs[k], acc.at[dst_v.at[0]], ssems[k]).wait()

    gissue(0, 0)
    gissue(1, 1)

    def ebody(t, carry):
        for k in range(3):
            j = 3 * t + k
            gwait(k)
            sissue(j, k)
            if k == 0:
                @pl.when(t > 0)
                def _():
                    swait(2)
            else:
                swait(k - 1)
            gissue(j + 2, (k + 2) % 3)
        return carry

    lax.fori_loop(0, (NCHUNK - 2) // 3, ebody, 0)
    gwait(0)
    swait(2)
    sissue(NCHUNK - 2, 0)
    gwait(1)
    swait(0)
    sissue(NCHUNK - 1, 1)
    swait(1)
    plsc.subcore_barrier()
    pltpu.sync_copy(acc.at[pl.ds(base, ROWS_PT)],
                    out_hbm.at[cid, pl.ds(base, ROWS_PT)])


def _prep_body(x_ref, w1_ref, hist_ref, g_ref, dinv_ref):
    deg = jnp.sum(hist_ref[...], axis=0) + 1.0
    dinv = lax.rsqrt(deg)[:, None]
    h = jnp.dot(x_ref[...], w1_ref[...], preferred_element_type=jnp.float32)
    g_ref[...] = h * dinv
    dinv_ref[...] = dinv


def _mid_body(acc_ref, dinv_ref, b1_ref, w2_ref, g2_ref):
    dinv = dinv_ref[...]
    s = acc_ref[0] + acc_ref[1]
    out1 = jnp.maximum(s * dinv + b1_ref[...], 0.0)
    h2 = jnp.dot(out1, w2_ref[...], preferred_element_type=jnp.float32)
    g2_ref[...] = h2 * dinv


def _final_body(acc_ref, dinv_ref, b2_ref, batch_ref, out_ref):
    dinv = dinv_ref[...]
    s = acc_ref[0] + acc_ref[1]
    out2 = jnp.maximum(s * dinv + b2_ref[...], 0.0)
    seg = lax.broadcasted_iota(jnp.int32, (B, N), 0)
    mask = (batch_ref[...] == seg).astype(jnp.float32)
    sums = jnp.dot(mask, out2, preferred_element_type=jnp.float32)
    counts = jnp.sum(mask, axis=1, keepdims=True)
    out_ref[...] = sums / jnp.maximum(counts, 1.0)


_prep = pl.pallas_call(
    _prep_body,
    out_shape=(jax.ShapeDtypeStruct((N, H), jnp.float32),
               jax.ShapeDtypeStruct((N, 1), jnp.float32)),
)

_mid = pl.pallas_call(
    _mid_body,
    out_shape=jax.ShapeDtypeStruct((N, H), jnp.float32),
)

_final = pl.pallas_call(
    _final_body,
    out_shape=jax.ShapeDtypeStruct((B, H), jnp.float32),
)


def kernel(x, edge_index, batch, W1, b1, W2, b2):
    src3 = edge_index[0].reshape(NW, NCHUNK, CHUNK)
    dst3 = edge_index[1].reshape(NW, NCHUNK, CHUNK)
    dst2 = edge_index[1].reshape(NW, EPW)

    zeros = jnp.zeros((ROWS_PT, H), jnp.float32)
    hist = _deg(dst2)
    g1, dinv = _prep(x, W1, hist)
    acc1 = _scatter(g1, src3, dst3, zeros)
    g2 = _mid(acc1, dinv, b1.reshape(1, H), W2)
    acc2 = _scatter(g2, src3, dst3, zeros)
    return _final(acc2, dinv, b2.reshape(1, H), batch.reshape(1, N))

# --- scband reference (transcript-rebuilt; emitter-appended) ---
"""Pipeline reference for scband-graph-encoder-65773129171088 (READ-ONLY COPY).

The authoritative reference and input builder live on the scoring server;
editing this copy changes nothing except your own understanding.
"""

import jax, jax.numpy as jnp
import numpy as np

N = 10000
E = 320000
D = 128
H = 128
B = 64


def setup_inputs(seed: int = 0) -> dict:
    key = jax.random.key(seed)
    k1, k2, k3, k4, k5, k6, k7 = jax.random.split(key, 7)
    x = jax.random.normal(k1, (N, D), dtype=jnp.float32)
    edge_index = jax.random.randint(k2, (2, E), 0, N, dtype=jnp.int32)
    batch = jnp.sort(jax.random.randint(k3, (N,), 0, B, dtype=jnp.int32))
    W1 = jax.random.normal(k4, (D, H), dtype=jnp.float32) * 0.05
    b1 = jnp.zeros((H,), dtype=jnp.float32)
    W2 = jax.random.normal(k5, (H, H), dtype=jnp.float32) * 0.05
    b2 = jnp.zeros((H,), dtype=jnp.float32)
    return {"x": x, "edge_index": edge_index, "batch": batch,
            "W1": W1, "b1": b1, "W2": W2, "b2": b2}


def _gcn_conv(x, W, b, src, dst, num_nodes):
    # GCNConv with symmetric normalization and self-loops (already appended to src/dst)
    h = x @ W
    deg = jnp.zeros((num_nodes,), x.dtype).at[dst].add(1.0)
    dinv = jnp.where(deg > 0, deg ** -0.5, 0.0)
    norm = dinv[src] * dinv[dst]
    msgs = jnp.take(h, src, axis=0) * norm[:, None]
    out = jnp.zeros_like(h).at[dst].add(msgs)
    return out + b


def reference(x, edge_index, batch, W1, b1, W2, b2):
    n = x.shape[0]
    loop = jnp.arange(n, dtype=edge_index.dtype)
    src = jnp.concatenate([edge_index[0], loop])
    dst = jnp.concatenate([edge_index[1], loop])
    h = jax.nn.relu(_gcn_conv(x, W1, b1, src, dst, n))
    h = jax.nn.relu(_gcn_conv(h, W2, b2, src, dst, n))
    sums = jax.ops.segment_sum(h, batch, num_segments=B)
    counts = jax.ops.segment_sum(jnp.ones((n,), h.dtype), batch, num_segments=B)
    return sums / jnp.maximum(counts, 1.0)[:, None]

if __name__ == "__main__":
    import jax
    _d = setup_inputs()
    print(jax.jit(kernel)(*tuple(_d.values())))

</pallas_src>

<mosaic_0001>
#map = affine_map<(d0, d1) -> (0, 0)>
#map1 = affine_map<(d0, d1) -> (0, 0, 0)>
module attributes {stable_mosaic.version = 14 : i64} {
  func.func @_scatter(%arg0: i32, %arg1: i32, %arg2: memref<10000x128xf32, #tpu.memory_space<hbm>>, %arg3: memref<32x125x80xi32, #tpu.memory_space<hbm>>, %arg4: memref<32x125x80xi32, #tpu.memory_space<hbm>>, %arg5: memref<625x128xf32, #tpu.memory_space<hbm>>, %arg6: memref<2x10000x128xf32, #tpu.memory_space<hbm>>, %arg7: memref<125x80xi32, #tpu.memory_space<vmem>>, %arg8: memref<125x80xi32, #tpu.memory_space<vmem>>, %arg9: memref<80x128xf32, #tpu.memory_space<vmem>>, %arg10: memref<80x128xf32, #tpu.memory_space<vmem>>, %arg11: memref<80x128xf32, #tpu.memory_space<vmem>>, %arg12: memref<10000x128xf32, #tpu.memory_space<vmem_shared>>, %arg13: memref<!tpu.dma_semaphore, #tpu.memory_space<semaphore_mem>>, %arg14: memref<!tpu.dma_semaphore, #tpu.memory_space<semaphore_mem>>, %arg15: memref<!tpu.dma_semaphore, #tpu.memory_space<semaphore_mem>>, %arg16: memref<!tpu.dma_semaphore, #tpu.memory_space<semaphore_mem>>, %arg17: memref<!tpu.dma_semaphore, #tpu.memory_space<semaphore_mem>>, %arg18: memref<!tpu.dma_semaphore, #tpu.memory_space<semaphore_mem>>) attributes {dimension_semantics = [#tpu.dimension_semantics<core_parallel>, #tpu.dimension_semantics<subcore_parallel>], iteration_bounds = array<i64: 2, 16>, scalar_prefetch = 0 : i64, scratch_operands = 12 : i64, tpu.core_type = #tpu.core_type<sc_vector_subcore>, window_params = [{transform_indices = #map}, {transform_indices = #map1}, {transform_indices = #map1}, {transform_indices = #map}, {transform_indices = #map1}]} {
    %mul3A = arith.constant 16 : i32
    %mul3A_0 = arith.muli %arg0, %mul3A : i32
    %add3A = arith.addi %mul3A_0, %arg1 : i32
    %mul3A_1 = arith.constant 625 : i32
    %mul3A_2 = arith.muli %arg1, %mul3A_1 : i32
    %eq3A = arith.constant 0 : i32
    %eq3A_3 = arith.cmpi eq, %arg0, %eq3A : i32
    %convert_element_type3A = arith.extui %eq3A_3 : i1 to i32
    %cond3A = arith.constant 0 : i32
    %cond3A_4 = arith.cmpi ne, %convert_element_type3A, %cond3A : i32
    scf.if %cond3A_4 {
      %dma_start3A_81 = arith.constant 0 : i32
      %dma_start3A_82 = tpu.memref_slice %arg12[%mul3A_2, %dma_start3A_81] : memref<10000x128xf32, #tpu.memory_space<vmem_shared>> -> memref<625x128xf32, #tpu.memory_space<vmem_shared>>
      %dma_start3A_83 = arith.constant 0 : i32
      %dma_start3A_84 = tpu.memref_slice %arg2[%mul3A_2, %dma_start3A_83] : memref<10000x128xf32, #tpu.memory_space<hbm>> -> memref<625x128xf32, #tpu.memory_space<hbm>>
      tpu.enqueue_dma source(%dma_start3A_84 : memref<625x128xf32, #tpu.memory_space<hbm>>) target(%dma_start3A_82 : memref<625x128xf32, #tpu.memory_space<vmem_shared>>) target_semaphore(%arg13 : memref<!tpu.dma_semaphore, #tpu.memory_space<semaphore_mem>>)
    } else {
    }
    %eq3A_5 = arith.constant 1 : i32
    %eq3A_6 = arith.cmpi eq, %arg0, %eq3A_5 : i32
    %convert_element_type3A_7 = arith.extui %eq3A_6 : i1 to i32
    %cond3A_8 = arith.constant 0 : i32
    %cond3A_9 = arith.cmpi ne, %convert_element_type3A_7, %cond3A_8 : i32
    scf.if %cond3A_9 {
      %dma_start3A_81 = arith.constant 0 : i32
      %dma_start3A_82 = tpu.memref_slice %arg12[%mul3A_2, %dma_start3A_81] : memref<10000x128xf32, #tpu.memory_space<vmem_shared>> -> memref<625x128xf32, #tpu.memory_space<vmem_shared>>
      tpu.enqueue_dma source(%arg5 : memref<625x128xf32, #tpu.memory_space<hbm>>) target(%dma_start3A_82 : memref<625x128xf32, #tpu.memory_space<vmem_shared>>) target_semaphore(%arg13 : memref<!tpu.dma_semaphore, #tpu.memory_space<semaphore_mem>>)
    } else {
    }
    "tpu.region"() ({
      %run_scoped3A = tpu.sem_alloc : memref<!tpu.dma_semaphore, #tpu.memory_space<semaphore_mem>>
      %dma_start3A_81 = arith.constant 0 : i32
      %dma_start3A_82 = arith.constant 0 : i32
      %dma_start3A_83 = tpu.memref_slice %arg3[%add3A, %dma_start3A_81, %dma_start3A_82] : memref<32x125x80xi32, #tpu.memory_space<hbm>> -> memref<1x125x80xi32, #tpu.memory_space<hbm>>
      %dma_start3A_84 = tpu.memref_squeeze %dma_start3A_83 : memref<1x125x80xi32, #tpu.memory_space<hbm>> -> memref<125x80xi32, #tpu.memory_space<hbm>>
      %dma_start3A_85 = arith.constant 0 : i32
      %dma_start3A_86 = arith.constant 0 : i32
      %dma_start3A_87 = tpu.memref_slice %arg3[%add3A, %dma_start3A_85, %dma_start3A_86] : memref<32x125x80xi32, #tpu.memory_space<hbm>> -> memref<1x125x80xi32, #tpu.memory_space<hbm>>
      %dma_start3A_88 = tpu.memref_squeeze %dma_start3A_87 : memref<1x125x80xi32, #tpu.memory_space<hbm>> -> memref<125x80xi32, #tpu.memory_space<hbm>>
      tpu.enqueue_dma source(%dma_start3A_88 : memref<125x80xi32, #tpu.memory_space<hbm>>) target(%arg7 : memref<125x80xi32, #tpu.memory_space<vmem>>) target_semaphore(%run_scoped3A : memref<!tpu.dma_semaphore, #tpu.memory_space<semaphore_mem>>)
      %dma_wait3A_89 = arith.constant 0 : i32
      %dma_wait3A_90 = arith.constant 0 : i32
      %dma_wait3A_91 = tpu.memref_slice %arg3[%add3A, %dma_wait3A_89, %dma_wait3A_90] : memref<32x125x80xi32, #tpu.memory_space<hbm>> -> memref<1x125x80xi32, #tpu.memory_space<hbm>>
      %dma_wait3A_92 = tpu.memref_squeeze %dma_wait3A_91 : memref<1x125x80xi32, #tpu.memory_space<hbm>> -> memref<125x80xi32, #tpu.memory_space<hbm>>
      %dma_wait3A_93 = arith.constant 0 : i32
      %dma_wait3A_94 = arith.constant 0 : i32
      %dma_wait3A_95 = tpu.memref_slice %arg3[%add3A, %dma_wait3A_93, %dma_wait3A_94] : memref<32x125x80xi32, #tpu.memory_space<hbm>> -> memref<1x125x80xi32, #tpu.memory_space<hbm>>
      %dma_wait3A_96 = tpu.memref_squeeze %dma_wait3A_95 : memref<1x125x80xi32, #tpu.memory_space<hbm>> -> memref<125x80xi32, #tpu.memory_space<hbm>>
      tpu.wait_dma2 semaphore(%run_scoped3A : memref<!tpu.dma_semaphore, #tpu.memory_space<semaphore_mem>>) src(%dma_wait3A_96 : memref<125x80xi32, #tpu.memory_space<hbm>>) dst(%arg7 : memref<125x80xi32, #tpu.memory_space<vmem>>)
      tpu.yield
    }) : () -> ()
    "tpu.region"() ({
      %run_scoped3A = tpu.sem_alloc : memref<!tpu.dma_semaphore, #tpu.memory_space<semaphore_mem>>
      %dma_start3A_81 = arith.constant 0 : i32
      %dma_start3A_82 = arith.constant 0 : i32
      %dma_start3A_83 = tpu.memref_slice %arg4[%add3A, %dma_start3A_81, %dma_start3A_82] : memref<32x125x80xi32, #tpu.memory_space<hbm>> -> memref<1x125x80xi32, #tpu.memory_space<hbm>>
      %dma_start3A_84 = tpu.memref_squeeze %dma_start3A_83 : memref<1x125x80xi32, #tpu.memory_space<hbm>> -> memref<125x80xi32, #tpu.memory_space<hbm>>
      %dma_start3A_85 = arith.constant 0 : i32
      %dma_start3A_86 = arith.constant 0 : i32
      %dma_start3A_87 = tpu.memref_slice %arg4[%add3A, %dma_start3A_85, %dma_start3A_86] : memref<32x125x80xi32, #tpu.memory_space<hbm>> -> memref<1x125x80xi32, #tpu.memory_space<hbm>>
      %dma_start3A_88 = tpu.memref_squeeze %dma_start3A_87 : memref<1x125x80xi32, #tpu.memory_space<hbm>> -> memref<125x80xi32, #tpu.memory_space<hbm>>
      tpu.enqueue_dma source(%dma_start3A_88 : memref<125x80xi32, #tpu.memory_space<hbm>>) target(%arg8 : memref<125x80xi32, #tpu.memory_space<vmem>>) target_semaphore(%run_scoped3A : memref<!tpu.dma_semaphore, #tpu.memory_space<semaphore_mem>>)
      %dma_wait3A_89 = arith.constant 0 : i32
      %dma_wait3A_90 = arith.constant 0 : i32
      %dma_wait3A_91 = tpu.memref_slice %arg4[%add3A, %dma_wait3A_89, %dma_wait3A_90] : memref<32x125x80xi32, #tpu.memory_space<hbm>> -> memref<1x125x80xi32, #tpu.memory_space<hbm>>
      %dma_wait3A_92 = tpu.memref_squeeze %dma_wait3A_91 : memref<1x125x80xi32, #tpu.memory_space<hbm>> -> memref<125x80xi32, #tpu.memory_space<hbm>>
      %dma_wait3A_93 = arith.constant 0 : i32
      %dma_wait3A_94 = arith.constant 0 : i32
      %dma_wait3A_95 = tpu.memref_slice %arg4[%add3A, %dma_wait3A_93, %dma_wait3A_94] : memref<32x125x80xi32, #tpu.memory_space<hbm>> -> memref<1x125x80xi32, #tpu.memory_space<hbm>>
      %dma_wait3A_96 = tpu.memref_squeeze %dma_wait3A_95 : memref<1x125x80xi32, #tpu.memory_space<hbm>> -> memref<125x80xi32, #tpu.memory_space<hbm>>
      tpu.wait_dma2 semaphore(%run_scoped3A : memref<!tpu.dma_semaphore, #tpu.memory_space<semaphore_mem>>) src(%dma_wait3A_96 : memref<125x80xi32, #tpu.memory_space<hbm>>) dst(%arg8 : memref<125x80xi32, #tpu.memory_space<vmem>>)
      tpu.yield
    }) : () -> ()
    %dma_wait3A = arith.constant 0 : i32
    %dma_wait3A_10 = tpu.memref_slice %arg12[%mul3A_2, %dma_wait3A] : memref<10000x128xf32, #tpu.memory_space<vmem_shared>> -> memref<625x128xf32, #tpu.memory_space<vmem_shared>>
    %dma_wait3A_11 = arith.constant 0 : i32
    %dma_wait3A_12 = tpu.memref_slice %arg2[%mul3A_2, %dma_wait3A_11] : memref<10000x128xf32, #tpu.memory_space<hbm>> -> memref<625x128xf32, #tpu.memory_space<hbm>>
    tpu.wait_dma2 semaphore(%arg13 : memref<!tpu.dma_semaphore, #tpu.memory_space<semaphore_mem>>) src(%dma_wait3A_12 : memref<625x128xf32, #tpu.memory_space<hbm>>) dst(%dma_wait3A_10 : memref<625x128xf32, #tpu.memory_space<vmem_shared>>)
    %barrier3A = arith.constant 0 : index
    tpu.barrier barrier_id(%barrier3A)
    %dma_start3A = arith.constant 0 : i32
    %dma_start3A_13 = arith.constant 0 : i32
    %dma_start3A_14 = tpu.memref_slice %arg7[%dma_start3A, %dma_start3A_13] : memref<125x80xi32, #tpu.memory_space<vmem>> -> memref<1x80xi32, #tpu.memory_space<vmem>>
    %dma_start3A_15 = tpu.memref_squeeze %dma_start3A_14 : memref<1x80xi32, #tpu.memory_space<vmem>> -> memref<80xi32, #tpu.memory_space<vmem>>
    %dma_start3A_16 = arith.constant 0 : i32
    %dma_start3A_17 = arith.constant 0 : i32
    %dma_start3A_18 = tpu.memref_slice %arg2[%dma_start3A_16, %dma_start3A_17] : memref<10000x128xf32, #tpu.memory_space<hbm>> -> memref<10000x128xf32, #tpu.memory_space<hbm>>
    tpu.enqueue_indirect_dma source(%dma_start3A_18 : memref<10000x128xf32, #tpu.memory_space<hbm>>) target(%arg9 : memref<80x128xf32, #tpu.memory_space<vmem>>) offsets(%dma_start3A_15 : memref<80xi32, #tpu.memory_space<vmem>>) semaphore(%arg13 : memref<!tpu.dma_semaphore, #tpu.memory_space<semaphore_mem>>)
    %dma_start3A_19 = arith.constant 1 : i32
    %dma_start3A_20 = arith.constant 0 : i32
    %dma_start3A_21 = tpu.memref_slice %arg7[%dma_start3A_19, %dma_start3A_20] : memref<125x80xi32, #tpu.memory_space<vmem>> -> memref<1x80xi32, #tpu.memory_space<vmem>>
    %dma_start3A_22 = tpu.memref_squeeze %dma_start3A_21 : memref<1x80xi32, #tpu.memory_space<vmem>> -> memref<80xi32, #tpu.memory_space<vmem>>
    %dma_start3A_23 = arith.constant 0 : i32
    %dma_start3A_24 = arith.constant 0 : i32
    %dma_start3A_25 = tpu.memref_slice %arg2[%dma_start3A_23, %dma_start3A_24] : memref<10000x128xf32, #tpu.memory_space<hbm>> -> memref<10000x128xf32, #tpu.memory_space<hbm>>
    tpu.enqueue_indirect_dma source(%dma_start3A_25 : memref<10000x128xf32, #tpu.memory_space<hbm>>) target(%arg10 : memref<80x128xf32, #tpu.memory_space<vmem>>) offsets(%dma_start3A_22 : memref<80xi32, #tpu.memory_space<vmem>>) semaphore(%arg14 : memref<!tpu.dma_semaphore, #tpu.memory_space<semaphore_mem>>)
    %scan3A = arith.constant 0 : i32
    %scan3A_26 = arith.constant 0 : i32
    %scan3A_27 = arith.constant 41 : i32
    %scan3A_28 = arith.addi %scan3A_26, %scan3A_27 : i32
    %scan3A_29 = arith.constant 1 : i32
    scf.for %scan3A_81 = %scan3A_26 to %scan3A_28 step %scan3A_29  : i32 {
      %mul3A_82 = arith.constant 3 : i32
      %mul3A_83 = arith.muli %mul3A_82, %scan3A_81 : i32
      %add3A_84 = arith.constant 0 : i32
      %add3A_85 = arith.addi %mul3A_83, %add3A_84 : i32
      %dma_wait3A_86 = arith.constant 0 : i32
      %dma_wait3A_87 = arith.constant 0 : i32
      %dma_wait3A_88 = tpu.memref_slice %arg7[%dma_wait3A_86, %dma_wait3A_87] : memref<125x80xi32, #tpu.memory_space<vmem>> -> memref<1x80xi32, #tpu.memory_space<vmem>>
      %dma_wait3A_89 = tpu.memref_squeeze %dma_wait3A_88 : memref<1x80xi32, #tpu.memory_space<vmem>> -> memref<80xi32, #tpu.memory_space<vmem>>
      %dma_wait3A_90 = arith.constant 0 : i32
      %dma_wait3A_91 = arith.constant 0 : i32
      %dma_wait3A_92 = tpu.memref_slice %arg2[%dma_wait3A_90, %dma_wait3A_91] : memref<10000x128xf32, #tpu.memory_space<hbm>> -> memref<10000x128xf32, #tpu.memory_space<hbm>>
      tpu.wait_indirect_dma semaphore(%arg13 : memref<!tpu.dma_semaphore, #tpu.memory_space<semaphore_mem>>) src(%dma_wait3A_92 : memref<10000x128xf32, #tpu.memory_space<hbm>>) dst(%arg9 : memref<80x128xf32, #tpu.memory_space<vmem>>)
      %dma_start3A_93 = arith.constant 0 : i32
      %dma_start3A_94 = tpu.memref_slice %arg8[%add3A_85, %dma_start3A_93] : memref<125x80xi32, #tpu.memory_space<vmem>> -> memref<1x80xi32, #tpu.memory_space<vmem>>
      %dma_start3A_95 = tpu.memref_squeeze %dma_start3A_94 : memref<1x80xi32, #tpu.memory_space<vmem>> -> memref<80xi32, #tpu.memory_space<vmem>>
      %dma_start3A_96 = arith.constant 0 : i32
      %dma_start3A_97 = arith.constant 0 : i32
      %dma_start3A_98 = tpu.memref_slice %arg12[%dma_start3A_96, %dma_start3A_97] : memref<10000x128xf32, #tpu.memory_space<vmem_shared>> -> memref<10000x128xf32, #tpu.memory_space<vmem_shared>>
      tpu.enqueue_indirect_dma source(%arg9 : memref<80x128xf32, #tpu.memory_space<vmem>>) target(%dma_start3A_98 : memref<10000x128xf32, #tpu.memory_space<vmem_shared>>) offsets(%dma_start3A_95 : memref<80xi32, #tpu.memory_space<vmem>>) semaphore(%arg16 : memref<!tpu.dma_semaphore, #tpu.memory_space<semaphore_mem>>) {add = true}
      %gt3A = arith.constant 0 : i32
      %gt3A_99 = arith.cmpi sgt, %scan3A_81, %gt3A : i32
      %convert_element_type3A_100 = arith.extui %gt3A_99 : i1 to i32
      %cond3A_101 = arith.constant 0 : i32
      %cond3A_102 = arith.cmpi ne, %convert_element_type3A_100, %cond3A_101 : i32
      scf.if %cond3A_102 {
        %dma_wait3A_175 = arith.constant 0 : i32
        %dma_wait3A_176 = arith.constant 0 : i32
        %dma_wait3A_177 = tpu.memref_slice %arg8[%dma_wait3A_175, %dma_wait3A_176] : memref<125x80xi32, #tpu.memory_space<vmem>> -> memref<1x80xi32, #tpu.memory_space<vmem>>
        %dma_wait3A_178 = tpu.memref_squeeze %dma_wait3A_177 : memref<1x80xi32, #tpu.memory_space<vmem>> -> memref<80xi32, #tpu.memory_space<vmem>>
        %dma_wait3A_179 = arith.constant 0 : i32
        %dma_wait3A_180 = arith.constant 0 : i32
        %dma_wait3A_181 = tpu.memref_slice %arg12[%dma_wait3A_179, %dma_wait3A_180] : memref<10000x128xf32, #tpu.memory_space<vmem_shared>> -> memref<10000x128xf32, #tpu.memory_space<vmem_shared>>
        tpu.wait_indirect_dma semaphore(%arg18 : memref<!tpu.dma_semaphore, #tpu.memory_space<semaphore_mem>>) src(%arg11 : memref<80x128xf32, #tpu.memory_space<vmem>>) dst(%dma_wait3A_181 : memref<10000x128xf32, #tpu.memory_space<vmem_shared>>)
      } else {
      }
      %add3A_103 = arith.constant 2 : i32
      %add3A_104 = arith.addi %add3A_85, %add3A_103 : i32
      %dma_start3A_105 = arith.constant 0 : i32
      %dma_start3A_106 = tpu.memref_slice %arg7[%add3A_104, %dma_start3A_105] : memref<125x80xi32, #tpu.memory_space<vmem>> -> memref<1x80xi32, #tpu.memory_space<vmem>>
      %dma_start3A_107 = tpu.memref_squeeze %dma_start3A_106 : memref<1x80xi32, #tpu.memory_space<vmem>> -> memref<80xi32, #tpu.memory_space<vmem>>
      %dma_start3A_108 = arith.constant 0 : i32
      %dma_start3A_109 = arith.constant 0 : i32
      %dma_start3A_110 = tpu.memref_slice %arg2[%dma_start3A_108, %dma_start3A_109] : memref<10000x128xf32, #tpu.memory_space<hbm>> -> memref<10000x128xf32, #tpu.memory_space<hbm>>
      tpu.enqueue_indirect_dma source(%dma_start3A_110 : memref<10000x128xf32, #tpu.memory_space<hbm>>) target(%arg11 : memref<80x128xf32, #tpu.memory_space<vmem>>) offsets(%dma_start3A_107 : memref<80xi32, #tpu.memory_space<vmem>>) semaphore(%arg15 : memref<!tpu.dma_semaphore, #tpu.memory_space<semaphore_mem>>)
      %mul3A_111 = arith.constant 3 : i32
      %mul3A_112 = arith.muli %mul3A_111, %scan3A_81 : i32
      %add3A_113 = arith.constant 1 : i32
      %add3A_114 = arith.addi %mul3A_112, %add3A_113 : i32
      %dma_wait3A_115 = arith.constant 0 : i32
      %dma_wait3A_116 = arith.constant 0 : i32
      %dma_wait3A_117 = tpu.memref_slice %arg7[%dma_wait3A_115, %dma_wait3A_116] : memref<125x80xi32, #tpu.memory_space<vmem>> -> memref<1x80xi32, #tpu.memory_space<vmem>>
      %dma_wait3A_118 = tpu.memref_squeeze %dma_wait3A_117 : memref<1x80xi32, #tpu.memory_space<vmem>> -> memref<80xi32, #tpu.memory_space<vmem>>
      %dma_wait3A_119 = arith.constant 0 : i32
      %dma_wait3A_120 = arith.constant 0 : i32
      %dma_wait3A_121 = tpu.memref_slice %arg2[%dma_wait3A_119, %dma_wait3A_120] : memref<10000x128xf32, #tpu.memory_space<hbm>> -> memref<10000x128xf32, #tpu.memory_space<hbm>>
      tpu.wait_indirect_dma semaphore(%arg14 : memref<!tpu.dma_semaphore, #tpu.memory_space<semaphore_mem>>) src(%dma_wait3A_121 : memref<10000x128xf32, #tpu.memory_space<hbm>>) dst(%arg10 : memref<80x128xf32, #tpu.memory_space<vmem>>)
      %dma_start3A_122 = arith.constant 0 : i32
      %dma_start3A_123 = tpu.memref_slice %arg8[%add3A_114, %dma_start3A_122] : memref<125x80xi32, #tpu.memory_space<vmem>> -> memref<1x80xi32, #tpu.memory_space<vmem>>
      %dma_start3A_124 = tpu.memref_squeeze %dma_start3A_123 : memref<1x80xi32, #tpu.memory_space<vmem>> -> memref<80xi32, #tpu.memory_space<vmem>>
      %dma_start3A_125 = arith.constant 0 : i32
      %dma_start3A_126 = arith.constant 0 : i32
      %dma_start3A_127 = tpu.memref_slice %arg12[%dma_start3A_125, %dma_start3A_126] : memref<10000x128xf32, #tpu.memory_space<vmem_shared>> -> memref<10000x128xf32, #tpu.memory_space<vmem_shared>>
      tpu.enqueue_indirect_dma source(%arg10 : memref<80x128xf32, #tpu.memory_space<vmem>>) target(%dma_start3A_127 : memref<10000x128xf32, #tpu.memory_space<vmem_shared>>) offsets(%dma_start3A_124 : memref<80xi32, #tpu.memory_space<vmem>>) semaphore(%arg17 : memref<!tpu.dma_semaphore, #tpu.memory_space<semaphore_mem>>) {add = true}
      %dma_wait3A_128 = arith.constant 0 : i32
      %dma_wait3A_129 = arith.constant 0 : i32
      %dma_wait3A_130 = tpu.memref_slice %arg8[%dma_wait3A_128, %dma_wait3A_129] : memref<125x80xi32, #tpu.memory_space<vmem>> -> memref<1x80xi32, #tpu.memory_space<vmem>>
      %dma_wait3A_131 = tpu.memref_squeeze %dma_wait3A_130 : memref<1x80xi32, #tpu.memory_space<vmem>> -> memref<80xi32, #tpu.memory_space<vmem>>
      %dma_wait3A_132 = arith.constant 0 : i32
      %dma_wait3A_133 = arith.constant 0 : i32
      %dma_wait3A_134 = tpu.memref_slice %arg12[%dma_wait3A_132, %dma_wait3A_133] : memref<10000x128xf32, #tpu.memory_space<vmem_shared>> -> memref<10000x128xf32, #tpu.memory_space<vmem_shared>>
      tpu.wait_indirect_dma semaphore(%arg16 : memref<!tpu.dma_semaphore, #tpu.memory_space<semaphore_mem>>) src(%arg9 : memref<80x128xf32, #tpu.memory_space<vmem>>) dst(%dma_wait3A_134 : memref<10000x128xf32, #tpu.memory_space<vmem_shared>>)
      %add3A_135 = arith.constant 2 : i32
      %add3A_136 = arith.addi %add3A_114, %add3A_135 : i32
      %dma_start3A_137 = arith.constant 0 : i32
      %dma_start3A_138 = tpu.memref_slice %arg7[%add3A_136, %dma_start3A_137] : memref<125x80xi32, #tpu.memory_space<vmem>> -> memref<1x80xi32, #tpu.memory_space<vmem>>
      %dma_start3A_139 = tpu.memref_squeeze %dma_start3A_138 : memref<1x80xi32, #tpu.memory_space<vmem>> -> memref<80xi32, #tpu.memory_space<vmem>>
      %dma_start3A_140 = arith.constant 0 : i32
      %dma_start3A_141 = arith.constant 0 : i32
      %dma_start3A_142 = tpu.memref_slice %arg2[%dma_start3A_140, %dma_start3A_141] : memref<10000x128xf32, #tpu.memory_space<hbm>> -> memref<10000x128xf32, #tpu.memory_space<hbm>>
      tpu.enqueue_indirect_dma source(%dma_start3A_142 : memref<10000x128xf32, #tpu.memory_space<hbm>>) target(%arg9 : memref<80x128xf32, #tpu.memory_space<vmem>>) offsets(%dma_start3A_139 : memref<80xi32, #tpu.memory_space<vmem>>) semaphore(%arg13 : memref<!tpu.dma_semaphore, #tpu.memory_space<semaphore_mem>>)
      %mul3A_143 = arith.constant 3 : i32
      %mul3A_144 = arith.muli %mul3A_143, %scan3A_81 : i32
      %add3A_145 = arith.constant 2 : i32
      %add3A_146 = arith.addi %mul3A_144, %add3A_145 : i32
      %dma_wait3A_147 = arith.constant 0 : i32
      %dma_wait3A_148 = arith.constant 0 : i32
      %dma_wait3A_149 = tpu.memref_slice %arg7[%dma_wait3A_147, %dma_wait3A_148] : memref<125x80xi32, #tpu.memory_space<vmem>> -> memref<1x80xi32, #tpu.memory_space<vmem>>
      %dma_wait3A_150 = tpu.memref_squeeze %dma_wait3A_149 : memref<1x80xi32, #tpu.memory_space<vmem>> -> memref<80xi32, #tpu.memory_space<vmem>>
      %dma_wait3A_151 = arith.constant 0 : i32
      %dma_wait3A_152 = arith.constant 0 : i32
      %dma_wait3A_153 = tpu.memref_slice %arg2[%dma_wait3A_151, %dma_wait3A_152] : memref<10000x128xf32, #tpu.memory_space<hbm>> -> memref<10000x128xf32, #tpu.memory_space<hbm>>
      tpu.wait_indirect_dma semaphore(%arg15 : memref<!tpu.dma_semaphore, #tpu.memory_space<semaphore_mem>>) src(%dma_wait3A_153 : memref<10000x128xf32, #tpu.memory_space<hbm>>) dst(%arg11 : memref<80x128xf32, #tpu.memory_space<vmem>>)
      %dma_start3A_154 = arith.constant 0 : i32
      %dma_start3A_155 = tpu.memref_slice %arg8[%add3A_146, %dma_start3A_154] : memref<125x80xi32, #tpu.memory_space<vmem>> -> memref<1x80xi32, #tpu.memory_space<vmem>>
      %dma_start3A_156 = tpu.memref_squeeze %dma_start3A_155 : memref<1x80xi32, #tpu.memory_space<vmem>> -> memref<80xi32, #tpu.memory_space<vmem>>
      %dma_start3A_157 = arith.constant 0 : i32
      %dma_start3A_158 = arith.constant 0 : i32
      %dma_start3A_159 = tpu.memref_slice %arg12[%dma_start3A_157, %dma_start3A_158] : memref<10000x128xf32, #tpu.memory_space<vmem_shared>> -> memref<10000x128xf32, #tpu.memory_space<vmem_shared>>
      tpu.enqueue_indirect_dma source(%arg11 : memref<80x128xf32, #tpu.memory_space<vmem>>) target(%dma_start3A_159 : memref<10000x128xf32, #tpu.memory_space<vmem_shared>>) offsets(%dma_start3A_156 : memref<80xi32, #tpu.memory_space<vmem>>) semaphore(%arg18 : memref<!tpu.dma_semaphore, #tpu.memory_space<semaphore_mem>>) {add = true}
      %dma_wait3A_160 = arith.constant 0 : i32
      %dma_wait3A_161 = arith.constant 0 : i32
      %dma_wait3A_162 = tpu.memref_slice %arg8[%dma_wait3A_160, %dma_wait3A_161] : memref<125x80xi32, #tpu.memory_space<vmem>> -> memref<1x80xi32, #tpu.memory_space<vmem>>
      %dma_wait3A_163 = tpu.memref_squeeze %dma_wait3A_162 : memref<1x80xi32, #tpu.memory_space<vmem>> -> memref<80xi32, #tpu.memory_space<vmem>>
      %dma_wait3A_164 = arith.constant 0 : i32
      %dma_wait3A_165 = arith.constant 0 : i32
      %dma_wait3A_166 = tpu.memref_slice %arg12[%dma_wait3A_164, %dma_wait3A_165] : memref<10000x128xf32, #tpu.memory_space<vmem_shared>> -> memref<10000x128xf32, #tpu.memory_space<vmem_shared>>
      tpu.wait_indirect_dma semaphore(%arg17 : memref<!tpu.dma_semaphore, #tpu.memory_space<semaphore_mem>>) src(%arg10 : memref<80x128xf32, #tpu.memory_space<vmem>>) dst(%dma_wait3A_166 : memref<10000x128xf32, #tpu.memory_space<vmem_shared>>)
      %add3A_167 = arith.constant 2 : i32
      %add3A_168 = arith.addi %add3A_146, %add3A_167 : i32
      %dma_start3A_169 = arith.constant 0 : i32
      %dma_start3A_170 = tpu.memref_slice %arg7[%add3A_168, %dma_start3A_169] : memref<125x80xi32, #tpu.memory_space<vmem>> -> memref<1x80xi32, #tpu.memory_space<vmem>>
      %dma_start3A_171 = tpu.memref_squeeze %dma_start3A_170 : memref<1x80xi32, #tpu.memory_space<vmem>> -> memref<80xi32, #tpu.memory_space<vmem>>
      %dma_start3A_172 = arith.constant 0 : i32
      %dma_start3A_173 = arith.constant 0 : i32
      %dma_start3A_174 = tpu.memref_slice %arg2[%dma_start3A_172, %dma_start3A_173] : memref<10000x128xf32, #tpu.memory_space<hbm>> -> memref<10000x128xf32, #tpu.memory_space<hbm>>
      tpu.enqueue_indirect_dma source(%dma_start3A_174 : memref<10000x128xf32, #tpu.memory_space<hbm>>) target(%arg10 : memref<80x128xf32, #tpu.memory_space<vmem>>) offsets(%dma_start3A_171 : memref<80xi32, #tpu.memory_space<vmem>>) semaphore(%arg14 : memref<!tpu.dma_semaphore, #tpu.memory_space<semaphore_mem>>)
    }
    %scan3A_30 = arith.constant 41 : i32
    %dma_wait3A_31 = arith.constant 0 : i32
    %dma_wait3A_32 = arith.constant 0 : i32
    %dma_wait3A_33 = tpu.memref_slice %arg7[%dma_wait3A_31, %dma_wait3A_32] : memref<125x80xi32, #tpu.memory_space<vmem>> -> memref<1x80xi32, #tpu.memory_space<vmem>>
    %dma_wait3A_34 = tpu.memref_squeeze %dma_wait3A_33 : memref<1x80xi32, #tpu.memory_space<vmem>> -> memref<80xi32, #tpu.memory_space<vmem>>
    %dma_wait3A_35 = arith.constant 0 : i32
    %dma_wait3A_36 = arith.constant 0 : i32
    %dma_wait3A_37 = tpu.memref_slice %arg2[%dma_wait3A_35, %dma_wait3A_36] : memref<10000x128xf32, #tpu.memory_space<hbm>> -> memref<10000x128xf32, #tpu.memory_space<hbm>>
    tpu.wait_indirect_dma semaphore(%arg13 : memref<!tpu.dma_semaphore, #tpu.memory_space<semaphore_mem>>) src(%dma_wait3A_37 : memref<10000x128xf32, #tpu.memory_space<hbm>>) dst(%arg9 : memref<80x128xf32, #tpu.memory_space<vmem>>)
    %dma_wait3A_38 = arith.constant 0 : i32
    %dma_wait3A_39 = arith.constant 0 : i32
    %dma_wait3A_40 = tpu.memref_slice %arg8[%dma_wait3A_38, %dma_wait3A_39] : memref<125x80xi32, #tpu.memory_space<vmem>> -> memref<1x80xi32, #tpu.memory_space<vmem>>
    %dma_wait3A_41 = tpu.memref_squeeze %dma_wait3A_40 : memref<1x80xi32, #tpu.memory_space<vmem>> -> memref<80xi32, #tpu.memory_space<vmem>>
    %dma_wait3A_42 = arith.constant 0 : i32
    %dma_wait3A_43 = arith.constant 0 : i32
    %dma_wait3A_44 = tpu.memref_slice %arg12[%dma_wait3A_42, %dma_wait3A_43] : memref<10000x128xf32, #tpu.memory_space<vmem_shared>> -> memref<10000x128xf32, #tpu.memory_space<vmem_shared>>
    tpu.wait_indirect_dma semaphore(%arg18 : memref<!tpu.dma_semaphore, #tpu.memory_space<semaphore_mem>>) src(%arg11 : memref<80x128xf32, #tpu.memory_space<vmem>>) dst(%dma_wait3A_44 : memref<10000x128xf32, #tpu.memory_space<vmem_shared>>)
    %dma_start3A_45 = arith.constant 123 : i32
    %dma_start3A_46 = arith.constant 0 : i32
    %dma_start3A_47 = tpu.memref_slice %arg8[%dma_start3A_45, %dma_start3A_46] : memref<125x80xi32, #tpu.memory_space<vmem>> -> memref<1x80xi32, #tpu.memory_space<vmem>>
    %dma_start3A_48 = tpu.memref_squeeze %dma_start3A_47 : memref<1x80xi32, #tpu.memory_space<vmem>> -> memref<80xi32, #tpu.memory_space<vmem>>
    %dma_start3A_49 = arith.constant 0 : i32
    %dma_start3A_50 = arith.constant 0 : i32
    %dma_start3A_51 = tpu.memref_slice %arg12[%dma_start3A_49, %dma_start3A_50] : memref<10000x128xf32, #tpu.memory_space<vmem_shared>> -> memref<10000x128xf32, #tpu.memory_space<vmem_shared>>
    tpu.enqueue_indirect_dma source(%arg9 : memref<80x128xf32, #tpu.memory_space<vmem>>) target(%dma_start3A_51 : memref<10000x128xf32, #tpu.memory_space<vmem_shared>>) offsets(%dma_start3A_48 : memref<80xi32, #tpu.memory_space<vmem>>) semaphore(%arg16 : memref<!tpu.dma_semaphore, #tpu.memory_space<semaphore_mem>>) {add = true}
    %dma_wait3A_52 = arith.constant 0 : i32
    %dma_wait3A_53 = arith.constant 0 : i32
    %dma_wait3A_54 = tpu.memref_slice %arg7[%dma_wait3A_52, %dma_wait3A_53] : memref<125x80xi32, #tpu.memory_space<vmem>> -> memref<1x80xi32, #tpu.memory_space<vmem>>
    %dma_wait3A_55 = tpu.memref_squeeze %dma_wait3A_54 : memref<1x80xi32, #tpu.memory_space<vmem>> -> memref<80xi32, #tpu.memory_space<vmem>>
    %dma_wait3A_56 = arith.constant 0 : i32
    %dma_wait3A_57 = arith.constant 0 : i32
    %dma_wait3A_58 = tpu.memref_slice %arg2[%dma_wait3A_56, %dma_wait3A_57] : memref<10000x128xf32, #tpu.memory_space<hbm>> -> memref<10000x128xf32, #tpu.memory_space<hbm>>
    tpu.wait_indirect_dma semaphore(%arg14 : memref<!tpu.dma_semaphore, #tpu.memory_space<semaphore_mem>>) src(%dma_wait3A_58 : memref<10000x128xf32, #tpu.memory_space<hbm>>) dst(%arg10 : memref<80x128xf32, #tpu.memory_space<vmem>>)
    %dma_wait3A_59 = arith.constant 0 : i32
    %dma_wait3A_60 = arith.constant 0 : i32
    %dma_wait3A_61 = tpu.memref_slice %arg8[%dma_wait3A_59, %dma_wait3A_60] : memref<125x80xi32, #tpu.memory_space<vmem>> -> memref<1x80xi32, #tpu.memory_space<vmem>>
    %dma_wait3A_62 = tpu.memref_squeeze %dma_wait3A_61 : memref<1x80xi32, #tpu.memory_space<vmem>> -> memref<80xi32, #tpu.memory_space<vmem>>
    %dma_wait3A_63 = arith.constant 0 : i32
    %dma_wait3A_64 = arith.constant 0 : i32
    %dma_wait3A_65 = tpu.memref_slice %arg12[%dma_wait3A_63, %dma_wait3A_64] : memref<10000x128xf32, #tpu.memory_space<vmem_shared>> -> memref<10000x128xf32, #tpu.memory_space<vmem_shared>>
    tpu.wait_indirect_dma semaphore(%arg16 : memref<!tpu.dma_semaphore, #tpu.memory_space<semaphore_mem>>) src(%arg9 : memref<80x128xf32, #tpu.memory_space<vmem>>) dst(%dma_wait3A_65 : memref<10000x128xf32, #tpu.memory_space<vmem_shared>>)
    %dma_start3A_66 = arith.constant 124 : i32
    %dma_start3A_67 = arith.constant 0 : i32
    %dma_start3A_68 = tpu.memref_slice %arg8[%dma_start3A_66, %dma_start3A_67] : memref<125x80xi32, #tpu.memory_space<vmem>> -> memref<1x80xi32, #tpu.memory_space<vmem>>
    %dma_start3A_69 = tpu.memref_squeeze %dma_start3A_68 : memref<1x80xi32, #tpu.memory_space<vmem>> -> memref<80xi32, #tpu.memory_space<vmem>>
    %dma_start3A_70 = arith.constant 0 : i32
    %dma_start3A_71 = arith.constant 0 : i32
    %dma_start3A_72 = tpu.memref_slice %arg12[%dma_start3A_70, %dma_start3A_71] : memref<10000x128xf32, #tpu.memory_space<vmem_shared>> -> memref<10000x128xf32, #tpu.memory_space<vmem_shared>>
    tpu.enqueue_indirect_dma source(%arg10 : memref<80x128xf32, #tpu.memory_space<vmem>>) target(%dma_start3A_72 : memref<10000x128xf32, #tpu.memory_space<vmem_shared>>) offsets(%dma_start3A_69 : memref<80xi32, #tpu.memory_space<vmem>>) semaphore(%arg17 : memref<!tpu.dma_semaphore, #tpu.memory_space<semaphore_mem>>) {add = true}
    %dma_wait3A_73 = arith.constant 0 : i32
    %dma_wait3A_74 = arith.constant 0 : i32
    %dma_wait3A_75 = tpu.memref_slice %arg8[%dma_wait3A_73, %dma_wait3A_74] : memref<125x80xi32, #tpu.memory_space<vmem>> -> memref<1x80xi32, #tpu.memory_space<vmem>>
    %dma_wait3A_76 = tpu.memref_squeeze %dma_wait3A_75 : memref<1x80xi32, #tpu.memory_space<vmem>> -> memref<80xi32, #tpu.memory_space<vmem>>
    %dma_wait3A_77 = arith.constant 0 : i32
    %dma_wait3A_78 = arith.constant 0 : i32
    %dma_wait3A_79 = tpu.memref_slice %arg12[%dma_wait3A_77, %dma_wait3A_78] : memref<10000x128xf32, #tpu.memory_space<vmem_shared>> -> memref<10000x128xf32, #tpu.memory_space<vmem_shared>>
    tpu.wait_indirect_dma semaphore(%arg17 : memref<!tpu.dma_semaphore, #tpu.memory_space<semaphore_mem>>) src(%arg10 : memref<80x128xf32, #tpu.memory_space<vmem>>) dst(%dma_wait3A_79 : memref<10000x128xf32, #tpu.memory_space<vmem_shared>>)
    %barrier3A_80 = arith.constant 0 : index
    tpu.barrier barrier_id(%barrier3A_80)
    "tpu.region"() ({
      %run_scoped3A = tpu.sem_alloc : memref<!tpu.dma_semaphore, #tpu.memory_space<semaphore_mem>>
      %dma_start3A_81 = arith.constant 0 : i32
      %dma_start3A_82 = tpu.memref_slice %arg6[%arg0, %mul3A_2, %dma_start3A_81] : memref<2x10000x128xf32, #tpu.memory_space<hbm>> -> memref<1x625x128xf32, #tpu.memory_space<hbm>>
      %dma_start3A_83 = tpu.memref_squeeze %dma_start3A_82 : memref<1x625x128xf32, #tpu.memory_space<hbm>> -> memref<625x128xf32, #tpu.memory_space<hbm>>
      %dma_start3A_84 = arith.constant 0 : i32
      %dma_start3A_85 = tpu.memref_slice %arg12[%mul3A_2, %dma_start3A_84] : memref<10000x128xf32, #tpu.memory_space<vmem_shared>> -> memref<625x128xf32, #tpu.memory_space<vmem_shared>>
      tpu.enqueue_dma source(%dma_start3A_85 : memref<625x128xf32, #tpu.memory_space<vmem_shared>>) target(%dma_start3A_83 : memref<625x128xf32, #tpu.memory_space<hbm>>) target_semaphore(%run_scoped3A : memref<!tpu.dma_semaphore, #tpu.memory_space<semaphore_mem>>)
      %dma_wait3A_86 = arith.constant 0 : i32
      %dma_wait3A_87 = tpu.memref_slice %arg6[%arg0, %mul3A_2, %dma_wait3A_86] : memref<2x10000x128xf32, #tpu.memory_space<hbm>> -> memref<1x625x128xf32, #tpu.memory_space<hbm>>
      %dma_wait3A_88 = tpu.memref_squeeze %dma_wait3A_87 : memref<1x625x128xf32, #tpu.memory_space<hbm>> -> memref<625x128xf32, #tpu.memory_space<hbm>>
      %dma_wait3A_89 = arith.constant 0 : i32
      %dma_wait3A_90 = tpu.memref_slice %arg12[%mul3A_2, %dma_wait3A_89] : memref<10000x128xf32, #tpu.memory_space<vmem_shared>> -> memref<625x128xf32, #tpu.memory_space<vmem_shared>>
      tpu.wait_dma2 semaphore(%run_scoped3A : memref<!tpu.dma_semaphore, #tpu.memory_space<semaphore_mem>>) src(%dma_wait3A_90 : memref<625x128xf32, #tpu.memory_space<vmem_shared>>) dst(%dma_wait3A_88 : memref<625x128xf32, #tpu.memory_space<hbm>>)
      tpu.yield
    }) : () -> ()
    return
  }
}

#map = affine_map<(d0, d1) -> (0, 0)>
module attributes {stable_mosaic.version = 14 : i64} {
  func.func @_deg(%arg0: i32, %arg1: i32, %arg2: memref<32x10000xi32, #tpu.memory_space<hbm>>, %arg3: memref<32x10000xf32, #tpu.memory_space<hbm>>, %arg4: memref<10000xi32, #tpu.memory_space<vmem>>, %arg5: memref<10000xf32, #tpu.memory_space<vmem>>) attributes {dimension_semantics = [#tpu.dimension_semantics<core_parallel>, #tpu.dimension_semantics<subcore_parallel>], iteration_bounds = array<i64: 2, 16>, scalar_prefetch = 0 : i64, scratch_operands = 2 : i64, tpu.core_type = #tpu.core_type<sc_vector_subcore>, window_params = [{transform_indices = #map}, {transform_indices = #map}]} {
    %mul3A = arith.constant 16 : i32
    %mul3A_0 = arith.muli %arg0, %mul3A : i32
    %add3A = arith.addi %mul3A_0, %arg1 : i32
    "tpu.region"() ({
      %run_scoped3A = tpu.sem_alloc : memref<!tpu.dma_semaphore, #tpu.memory_space<semaphore_mem>>
      %dma_start3A = arith.constant 0 : i32
      %dma_start3A_25 = tpu.memref_slice %arg2[%add3A, %dma_start3A] : memref<32x10000xi32, #tpu.memory_space<hbm>> -> memref<1x10000xi32, #tpu.memory_space<hbm>>
      %dma_start3A_26 = tpu.memref_squeeze %dma_start3A_25 : memref<1x10000xi32, #tpu.memory_space<hbm>> -> memref<10000xi32, #tpu.memory_space<hbm>>
      %dma_start3A_27 = arith.constant 0 : i32
      %dma_start3A_28 = tpu.memref_slice %arg2[%add3A, %dma_start3A_27] : memref<32x10000xi32, #tpu.memory_space<hbm>> -> memref<1x10000xi32, #tpu.memory_space<hbm>>
      %dma_start3A_29 = tpu.memref_squeeze %dma_start3A_28 : memref<1x10000xi32, #tpu.memory_space<hbm>> -> memref<10000xi32, #tpu.memory_space<hbm>>
      tpu.enqueue_dma source(%dma_start3A_29 : memref<10000xi32, #tpu.memory_space<hbm>>) target(%arg4 : memref<10000xi32, #tpu.memory_space<vmem>>) target_semaphore(%run_scoped3A : memref<!tpu.dma_semaphore, #tpu.memory_space<semaphore_mem>>)
      %dma_wait3A = arith.constant 0 : i32
      %dma_wait3A_30 = tpu.memref_slice %arg2[%add3A, %dma_wait3A] : memref<32x10000xi32, #tpu.memory_space<hbm>> -> memref<1x10000xi32, #tpu.memory_space<hbm>>
      %dma_wait3A_31 = tpu.memref_squeeze %dma_wait3A_30 : memref<1x10000xi32, #tpu.memory_space<hbm>> -> memref<10000xi32, #tpu.memory_space<hbm>>
      %dma_wait3A_32 = arith.constant 0 : i32
      %dma_wait3A_33 = tpu.memref_slice %arg2[%add3A, %dma_wait3A_32] : memref<32x10000xi32, #tpu.memory_space<hbm>> -> memref<1x10000xi32, #tpu.memory_space<hbm>>
      %dma_wait3A_34 = tpu.memref_squeeze %dma_wait3A_33 : memref<1x10000xi32, #tpu.memory_space<hbm>> -> memref<10000xi32, #tpu.memory_space<hbm>>
      tpu.wait_dma2 semaphore(%run_scoped3A : memref<!tpu.dma_semaphore, #tpu.memory_space<semaphore_mem>>) src(%dma_wait3A_34 : memref<10000xi32, #tpu.memory_space<hbm>>) dst(%arg4 : memref<10000xi32, #tpu.memory_space<vmem>>)
      tpu.yield
    }) : () -> ()
    %broadcast_in_dim3A = arith.constant 0.000000e+00 : f32
    %broadcast_in_dim3A_1 = vector.broadcast %broadcast_in_dim3A : f32 to vector<16xf32>
    %scan3A = arith.constant 0 : i32
    %scan3A_2 = arith.constant 0 : i32
    %scan3A_3 = arith.constant 624 : i32
    %scan3A_4 = arith.addi %scan3A_2, %scan3A_3 : i32
    %scan3A_5 = arith.constant 8 : i32
    scf.for %scan3A_25 = %scan3A_2 to %scan3A_4 step %scan3A_5  : i32 {
      %mul3A_26 = arith.constant 16 : i32
      %mul3A_27 = arith.muli %scan3A_25, %mul3A_26 : i32
      %swap3A_28 = arith.index_cast %mul3A_27 : i32 to index
      %swap3A_29 = tpu.vector_load %arg5[%swap3A_28] {strides = array<i32>} : memref<10000xf32, #tpu.memory_space<vmem>>, vector<16xf32>,
      tpu.vector_store %arg5[%swap3A_28], %broadcast_in_dim3A_1 {strides = array<i32>} : memref<10000xf32, #tpu.memory_space<vmem>>, vector<16xf32>,
      %scan3A_30 = arith.constant 1 : i32
      %scan3A_31 = arith.addi %scan3A_25, %scan3A_30 : i32
      %mul3A_32 = arith.constant 16 : i32
      %mul3A_33 = arith.muli %scan3A_31, %mul3A_32 : i32
      %swap3A_34 = arith.index_cast %mul3A_33 : i32 to index
      %swap3A_35 = tpu.vector_load %arg5[%swap3A_34] {strides = array<i32>} : memref<10000xf32, #tpu.memory_space<vmem>>, vector<16xf32>,
      tpu.vector_store %arg5[%swap3A_34], %broadcast_in_dim3A_1 {strides = array<i32>} : memref<10000xf32, #tpu.memory_space<vmem>>, vector<16xf32>,
      %scan3A_36 = arith.constant 2 : i32
      %scan3A_37 = arith.addi %scan3A_25, %scan3A_36 : i32
      %mul3A_38 = arith.constant 16 : i32
      %mul3A_39 = arith.muli %scan3A_37, %mul3A_38 : i32
      %swap3A_40 = arith.index_cast %mul3A_39 : i32 to index
      %swap3A_41 = tpu.vector_load %arg5[%swap3A_40] {strides = array<i32>} : memref<10000xf32, #tpu.memory_space<vmem>>, vector<16xf32>,
      tpu.vector_store %arg5[%swap3A_40], %broadcast_in_dim3A_1 {strides = array<i32>} : memref<10000xf32, #tpu.memory_space<vmem>>, vector<16xf32>,
      %scan3A_42 = arith.constant 3 : i32
      %scan3A_43 = arith.addi %scan3A_25, %scan3A_42 : i32
      %mul3A_44 = arith.constant 16 : i32
      %mul3A_45 = arith.muli %scan3A_43, %mul3A_44 : i32
      %swap3A_46 = arith.index_cast %mul3A_45 : i32 to index
      %swap3A_47 = tpu.vector_load %arg5[%swap3A_46] {strides = array<i32>} : memref<10000xf32, #tpu.memory_space<vmem>>, vector<16xf32>,
      tpu.vector_store %arg5[%swap3A_46], %broadcast_in_dim3A_1 {strides = array<i32>} : memref<10000xf32, #tpu.memory_space<vmem>>, vector<16xf32>,
      %scan3A_48 = arith.constant 4 : i32
      %scan3A_49 = arith.addi %scan3A_25, %scan3A_48 : i32
      %mul3A_50 = arith.constant 16 : i32
      %mul3A_51 = arith.muli %scan3A_49, %mul3A_50 : i32
      %swap3A_52 = arith.index_cast %mul3A_51 : i32 to index
      %swap3A_53 = tpu.vector_load %arg5[%swap3A_52] {strides = array<i32>} : memref<10000xf32, #tpu.memory_space<vmem>>, vector<16xf32>,
      tpu.vector_store %arg5[%swap3A_52], %broadcast_in_dim3A_1 {strides = array<i32>} : memref<10000xf32, #tpu.memory_space<vmem>>, vector<16xf32>,
      %scan3A_54 = arith.constant 5 : i32
      %scan3A_55 = arith.addi %scan3A_25, %scan3A_54 : i32
      %mul3A_56 = arith.constant 16 : i32
      %mul3A_57 = arith.muli %scan3A_55, %mul3A_56 : i32
      %swap3A_58 = arith.index_cast %mul3A_57 : i32 to index
      %swap3A_59 = tpu.vector_load %arg5[%swap3A_58] {strides = array<i32>} : memref<10000xf32, #tpu.memory_space<vmem>>, vector<16xf32>,
      tpu.vector_store %arg5[%swap3A_58], %broadcast_in_dim3A_1 {strides = array<i32>} : memref<10000xf32, #tpu.memory_space<vmem>>, vector<16xf32>,
      %scan3A_60 = arith.constant 6 : i32
      %scan3A_61 = arith.addi %scan3A_25, %scan3A_60 : i32
      %mul3A_62 = arith.constant 16 : i32
      %mul3A_63 = arith.muli %scan3A_61, %mul3A_62 : i32
      %swap3A_64 = arith.index_cast %mul3A_63 : i32 to index
      %swap3A_65 = tpu.vector_load %arg5[%swap3A_64] {strides = array<i32>} : memref<10000xf32, #tpu.memory_space<vmem>>, vector<16xf32>,
      tpu.vector_store %arg5[%swap3A_64], %broadcast_in_dim3A_1 {strides = array<i32>} : memref<10000xf32, #tpu.memory_space<vmem>>, vector<16xf32>,
      %scan3A_66 = arith.constant 7 : i32
      %scan3A_67 = arith.addi %scan3A_25, %scan3A_66 : i32
      %mul3A_68 = arith.constant 16 : i32
      %mul3A_69 = arith.muli %scan3A_67, %mul3A_68 : i32
      %swap3A_70 = arith.index_cast %mul3A_69 : i32 to index
      %swap3A_71 = tpu.vector_load %arg5[%swap3A_70] {strides = array<i32>} : memref<10000xf32, #tpu.memory_space<vmem>>, vector<16xf32>,
      tpu.vector_store %arg5[%swap3A_70], %broadcast_in_dim3A_1 {strides = array<i32>} : memref<10000xf32, #tpu.memory_space<vmem>>, vector<16xf32>,
    }
    %scan3A_6 = arith.constant 624 : i32
    %scan3A_7 = arith.addi %scan3A_2, %scan3A_6 : i32
    %mul3A_8 = arith.constant 16 : i32
    %mul3A_9 = arith.muli %scan3A_7, %mul3A_8 : i32
    %swap3A = arith.index_cast %mul3A_9 : i32 to index
    %swap3A_10 = tpu.vector_load %arg5[%swap3A] {strides = array<i32>} : memref<10000xf32, #tpu.memory_space<vmem>>, vector<16xf32>,
    tpu.vector_store %arg5[%swap3A], %broadcast_in_dim3A_1 {strides = array<i32>} : memref<10000xf32, #tpu.memory_space<vmem>>, vector<16xf32>,
    %scan3A_11 = arith.constant 625 : i32
    %broadcast_in_dim3A_12 = arith.constant 1.000000e+00 : f32
    %broadcast_in_dim3A_13 = vector.broadcast %broadcast_in_dim3A_12 : f32 to vector<16xf32>
    %scan3A_14 = arith.constant 0 : i32
    %scan3A_15 = arith.constant 0 : i32
    %scan3A_16 = arith.constant 624 : i32
    %scan3A_17 = arith.addi %scan3A_15, %scan3A_16 : i32
    %scan3A_18 = arith.constant 8 : i32
    scf.for %scan3A_25 = %scan3A_15 to %scan3A_17 step %scan3A_18  : i32 {
      %mul3A_26 = arith.constant 16 : i32
      %mul3A_27 = arith.muli %scan3A_25, %mul3A_26 : i32
      %get3A_28 = arith.index_cast %mul3A_27 : i32 to index
      %get3A_29 = tpu.vector_load %arg4[%get3A_28] {strides = array<i32>} : memref<10000xi32, #tpu.memory_space<vmem>>, vector<16xi32>,
      tpu.vector_store_idx %arg5[%get3A_29], %broadcast_in_dim3A_13 {add = true} : memref<10000xf32, #tpu.memory_space<vmem>>[vector<16xi32>], vector<16xf32>,
      %scan3A_30 = arith.constant 1 : i32
      %scan3A_31 = arith.addi %scan3A_25, %scan3A_30 : i32
      %mul3A_32 = arith.constant 16 : i32
      %mul3A_33 = arith.muli %scan3A_31, %mul3A_32 : i32
      %get3A_34 = arith.index_cast %mul3A_33 : i32 to index
      %get3A_35 = tpu.vector_load %arg4[%get3A_34] {strides = array<i32>} : memref<10000xi32, #tpu.memory_space<vmem>>, vector<16xi32>,
      tpu.vector_store_idx %arg5[%get3A_35], %broadcast_in_dim3A_13 {add = true} : memref<10000xf32, #tpu.memory_space<vmem>>[vector<16xi32>], vector<16xf32>,
      %scan3A_36 = arith.constant 2 : i32
      %scan3A_37 = arith.addi %scan3A_25, %scan3A_36 : i32
      %mul3A_38 = arith.constant 16 : i32
      %mul3A_39 = arith.muli %scan3A_37, %mul3A_38 : i32
      %get3A_40 = arith.index_cast %mul3A_39 : i32 to index
      %get3A_41 = tpu.vector_load %arg4[%get3A_40] {strides = array<i32>} : memref<10000xi32, #tpu.memory_space<vmem>>, vector<16xi32>,
      tpu.vector_store_idx %arg5[%get3A_41], %broadcast_in_dim3A_13 {add = true} : memref<10000xf32, #tpu.memory_space<vmem>>[vector<16xi32>], vector<16xf32>,
      %scan3A_42 = arith.constant 3 : i32
      %scan3A_43 = arith.addi %scan3A_25, %scan3A_42 : i32
      %mul3A_44 = arith.constant 16 : i32
      %mul3A_45 = arith.muli %scan3A_43, %mul3A_44 : i32
      %get3A_46 = arith.index_cast %mul3A_45 : i32 to index
      %get3A_47 = tpu.vector_load %arg4[%get3A_46] {strides = array<i32>} : memref<10000xi32, #tpu.memory_space<vmem>>, vector<16xi32>,
      tpu.vector_store_idx %arg5[%get3A_47], %broadcast_in_dim3A_13 {add = true} : memref<10000xf32, #tpu.memory_space<vmem>>[vector<16xi32>], vector<16xf32>,
      %scan3A_48 = arith.constant 4 : i32
      %scan3A_49 = arith.addi %scan3A_25, %scan3A_48 : i32
      %mul3A_50 = arith.constant 16 : i32
      %mul3A_51 = arith.muli %scan3A_49, %mul3A_50 : i32
      %get3A_52 = arith.index_cast %mul3A_51 : i32 to index
      %get3A_53 = tpu.vector_load %arg4[%get3A_52] {strides = array<i32>} : memref<10000xi32, #tpu.memory_space<vmem>>, vector<16xi32>,
      tpu.vector_store_idx %arg5[%get3A_53], %broadcast_in_dim3A_13 {add = true} : memref<10000xf32, #tpu.memory_space<vmem>>[vector<16xi32>], vector<16xf32>,
      %scan3A_54 = arith.constant 5 : i32
      %scan3A_55 = arith.addi %scan3A_25, %scan3A_54 : i32
      %mul3A_56 = arith.constant 16 : i32
      %mul3A_57 = arith.muli %scan3A_55, %mul3A_56 : i32
      %get3A_58 = arith.index_cast %mul3A_57 : i32 to index
      %get3A_59 = tpu.vector_load %arg4[%get3A_58] {strides = array<i32>} : memref<10000xi32, #tpu.memory_space<vmem>>, vector<16xi32>,
      tpu.vector_store_idx %arg5[%get3A_59], %broadcast_in_dim3A_13 {add = true} : memref<10000xf32, #tpu.memory_space<vmem>>[vector<16xi32>], vector<16xf32>,
      %scan3A_60 = arith.constant 6 : i32
      %scan3A_61 = arith.addi %scan3A_25, %scan3A_60 : i32
      %mul3A_62 = arith.constant 16 : i32
      %mul3A_63 = arith.muli %scan3A_61, %mul3A_62 : i32
      %get3A_64 = arith.index_cast %mul3A_63 : i32 to index
      %get3A_65 = tpu.vector_load %arg4[%get3A_64] {strides = array<i32>} : memref<10000xi32, #tpu.memory_space<vmem>>, vector<16xi32>,
      tpu.vector_store_idx %arg5[%get3A_65], %broadcast_in_dim3A_13 {add = true} : memref<10000xf32, #tpu.memory_space<vmem>>[vector<16xi32>], vector<16xf32>,
      %scan3A_66 = arith.constant 7 : i32
      %scan3A_67 = arith.addi %scan3A_25, %scan3A_66 : i32
      %mul3A_68 = arith.constant 16 : i32
      %mul3A_69 = arith.muli %scan3A_67, %mul3A_68 : i32
      %get3A_70 = arith.index_cast %mul3A_69 : i32 to index
      %get3A_71 = tpu.vector_load %arg4[%get3A_70] {strides = array<i32>} : memref<10000xi32, #tpu.memory_space<vmem>>, vector<16xi32>,
      tpu.vector_store_idx %arg5[%get3A_71], %broadcast_in_dim3A_13 {add = true} : memref<10000xf32, #tpu.memory_space<vmem>>[vector<16xi32>], vector<16xf32>,
    }
    %scan3A_19 = arith.constant 624 : i32
    %scan3A_20 = arith.addi %scan3A_15, %scan3A_19 : i32
    %mul3A_21 = arith.constant 16 : i32
    %mul3A_22 = arith.muli %scan3A_20, %mul3A_21 : i32
    %get3A = arith.index_cast %mul3A_22 : i32 to index
    %get3A_23 = tpu.vector_load %arg4[%get3A] {strides = array<i32>} : memref<10000xi32, #tpu.memory_space<vmem>>, vector<16xi32>,
    tpu.vector_store_idx %arg5[%get3A_23], %broadcast_in_dim3A_13 {add = true} : memref<10000xf32, #tpu.memory_space<vmem>>[vector<16xi32>], vector<16xf32>,
    %scan3A_24 = arith.constant 625 : i32
    "tpu.region"() ({
      %run_scoped3A = tpu.sem_alloc : memref<!tpu.dma_semaphore, #tpu.memory_space<semaphore_mem>>
      %dma_start3A = arith.constant 0 : i32
      %dma_start3A_25 = tpu.memref_slice %arg3[%add3A, %dma_start3A] : memref<32x10000xf32, #tpu.memory_space<hbm>> -> memref<1x10000xf32, #tpu.memory_space<hbm>>
      %dma_start3A_26 = tpu.memref_squeeze %dma_start3A_25 : memref<1x10000xf32, #tpu.memory_space<hbm>> -> memref<10000xf32, #tpu.memory_space<hbm>>
      %dma_start3A_27 = arith.constant 0 : i32
      %dma_start3A_28 = tpu.memref_slice %arg3[%add3A, %dma_start3A_27] : memref<32x10000xf32, #tpu.memory_space<hbm>> -> memref<1x10000xf32, #tpu.memory_space<hbm>>
      %dma_start3A_29 = tpu.memref_squeeze %dma_start3A_28 : memref<1x10000xf32, #tpu.memory_space<hbm>> -> memref<10000xf32, #tpu.memory_space<hbm>>
      tpu.enqueue_dma source(%arg5 : memref<10000xf32, #tpu.memory_space<vmem>>) target(%dma_start3A_29 : memref<10000xf32, #tpu.memory_space<hbm>>) target_semaphore(%run_scoped3A : memref<!tpu.dma_semaphore, #tpu.memory_space<semaphore_mem>>)
      %dma_wait3A = arith.constant 0 : i32
      %dma_wait3A_30 = tpu.memref_slice %arg3[%add3A, %dma_wait3A] : memref<32x10000xf32, #tpu.memory_space<hbm>> -> memref<1x10000xf32, #tpu.memory_space<hbm>>
      %dma_wait3A_31 = tpu.memref_squeeze %dma_wait3A_30 : memref<1x10000xf32, #tpu.memory_space<hbm>> -> memref<10000xf32, #tpu.memory_space<hbm>>
      %dma_wait3A_32 = arith.constant 0 : i32
      %dma_wait3A_33 = tpu.memref_slice %arg3[%add3A, %dma_wait3A_32] : memref<32x10000xf32, #tpu.memory_space<hbm>> -> memref<1x10000xf32, #tpu.memory_space<hbm>>
      %dma_wait3A_34 = tpu.memref_squeeze %dma_wait3A_33 : memref<1x10000xf32, #tpu.memory_space<hbm>> -> memref<10000xf32, #tpu.memory_space<hbm>>
      tpu.wait_dma2 semaphore(%run_scoped3A : memref<!tpu.dma_semaphore, #tpu.memory_space<semaphore_mem>>) src(%arg5 : memref<10000xf32, #tpu.memory_space<vmem>>) dst(%dma_wait3A_34 : memref<10000xf32, #tpu.memory_space<hbm>>)
      tpu.yield
    }) : () -> ()
    return
  }
}

#map = affine_map<(d0, d1) -> (0, 0)>
#map1 = affine_map<(d0, d1) -> (0, 0, 0)>
module attributes {stable_mosaic.version = 14 : i64} {
  func.func @_scatter(%arg0: i32, %arg1: i32, %arg2: memref<10000x128xf32, #tpu.memory_space<hbm>>, %arg3: memref<32x125x80xi32, #tpu.memory_space<hbm>>, %arg4: memref<32x125x80xi32, #tpu.memory_space<hbm>>, %arg5: memref<625x128xf32, #tpu.memory_space<hbm>>, %arg6: memref<2x10000x128xf32, #tpu.memory_space<hbm>>, %arg7: memref<125x80xi32, #tpu.memory_space<vmem>>, %arg8: memref<125x80xi32, #tpu.memory_space<vmem>>, %arg9: memref<80x128xf32, #tpu.memory_space<vmem>>, %arg10: memref<80x128xf32, #tpu.memory_space<vmem>>, %arg11: memref<80x128xf32, #tpu.memory_space<vmem>>, %arg12: memref<10000x128xf32, #tpu.memory_space<vmem_shared>>, %arg13: memref<!tpu.dma_semaphore, #tpu.memory_space<semaphore_mem>>, %arg14: memref<!tpu.dma_semaphore, #tpu.memory_space<semaphore_mem>>, %arg15: memref<!tpu.dma_semaphore, #tpu.memory_space<semaphore_mem>>, %arg16: memref<!tpu.dma_semaphore, #tpu.memory_space<semaphore_mem>>, %arg17: memref<!tpu.dma_semaphore, #tpu.memory_space<semaphore_mem>>, %arg18: memref<!tpu.dma_semaphore, #tpu.memory_space<semaphore_mem>>) attributes {dimension_semantics = [#tpu.dimension_semantics<core_parallel>, #tpu.dimension_semantics<subcore_parallel>], iteration_bounds = array<i64: 2, 16>, scalar_prefetch = 0 : i64, scratch_operands = 12 : i64, tpu.core_type = #tpu.core_type<sc_vector_subcore>, window_params = [{transform_indices = #map}, {transform_indices = #map1}, {transform_indices = #map1}, {transform_indices = #map}, {transform_indices = #map1}]} {
    %mul3A = arith.constant 16 : i32
    %mul3A_0 = arith.muli %arg0, %mul3A : i32
    %add3A = arith.addi %mul3A_0, %arg1 : i32
    %mul3A_1 = arith.constant 625 : i32
    %mul3A_2 = arith.muli %arg1, %mul3A_1 : i32
    %eq3A = arith.constant 0 : i32
    %eq3A_3 = arith.cmpi eq, %arg0, %eq3A : i32
    %convert_element_type3A = arith.extui %eq3A_3 : i1 to i32
    %cond3A = arith.constant 0 : i32
    %cond3A_4 = arith.cmpi ne, %convert_element_type3A, %cond3A : i32
    scf.if %cond3A_4 {
      %dma_start3A_81 = arith.constant 0 : i32
      %dma_start3A_82 = tpu.memref_slice %arg12[%mul3A_2, %dma_start3A_81] : memref<10000x128xf32, #tpu.memory_space<vmem_shared>> -> memref<625x128xf32, #tpu.memory_space<vmem_shared>>
      %dma_start3A_83 = arith.constant 0 : i32
      %dma_start3A_84 = tpu.memref_slice %arg2[%mul3A_2, %dma_start3A_83] : memref<10000x128xf32, #tpu.memory_space<hbm>> -> memref<625x128xf32, #tpu.memory_space<hbm>>
      tpu.enqueue_dma source(%dma_start3A_84 : memref<625x128xf32, #tpu.memory_space<hbm>>) target(%dma_start3A_82 : memref<625x128xf32, #tpu.memory_space<vmem_shared>>) target_semaphore(%arg13 : memref<!tpu.dma_semaphore, #tpu.memory_space<semaphore_mem>>)
    } else {
    }
    %eq3A_5 = arith.constant 1 : i32
    %eq3A_6 = arith.cmpi eq, %arg0, %eq3A_5 : i32
    %convert_element_type3A_7 = arith.extui %eq3A_6 : i1 to i32
    %cond3A_8 = arith.constant 0 : i32
    %cond3A_9 = arith.cmpi ne, %convert_element_type3A_7, %cond3A_8 : i32
    scf.if %cond3A_9 {
      %dma_start3A_81 = arith.constant 0 : i32
      %dma_start3A_82 = tpu.memref_slice %arg12[%mul3A_2, %dma_start3A_81] : memref<10000x128xf32, #tpu.memory_space<vmem_shared>> -> memref<625x128xf32, #tpu.memory_space<vmem_shared>>
      tpu.enqueue_dma source(%arg5 : memref<625x128xf32, #tpu.memory_space<hbm>>) target(%dma_start3A_82 : memref<625x128xf32, #tpu.memory_space<vmem_shared>>) target_semaphore(%arg13 : memref<!tpu.dma_semaphore, #tpu.memory_space<semaphore_mem>>)
    } else {
    }
    "tpu.region"() ({
      %run_scoped3A = tpu.sem_alloc : memref<!tpu.dma_semaphore, #tpu.memory_space<semaphore_mem>>
      %dma_start3A_81 = arith.constant 0 : i32
      %dma_start3A_82 = arith.constant 0 : i32
      %dma_start3A_83 = tpu.memref_slice %arg3[%add3A, %dma_start3A_81, %dma_start3A_82] : memref<32x125x80xi32, #tpu.memory_space<hbm>> -> memref<1x125x80xi32, #tpu.memory_space<hbm>>
      %dma_start3A_84 = tpu.memref_squeeze %dma_start3A_83 : memref<1x125x80xi32, #tpu.memory_space<hbm>> -> memref<125x80xi32, #tpu.memory_space<hbm>>
      %dma_start3A_85 = arith.constant 0 : i32
      %dma_start3A_86 = arith.constant 0 : i32
      %dma_start3A_87 = tpu.memref_slice %arg3[%add3A, %dma_start3A_85, %dma_start3A_86] : memref<32x125x80xi32, #tpu.memory_space<hbm>> -> memref<1x125x80xi32, #tpu.memory_space<hbm>>
      %dma_start3A_88 = tpu.memref_squeeze %dma_start3A_87 : memref<1x125x80xi32, #tpu.memory_space<hbm>> -> memref<125x80xi32, #tpu.memory_space<hbm>>
      tpu.enqueue_dma source(%dma_start3A_88 : memref<125x80xi32, #tpu.memory_space<hbm>>) target(%arg7 : memref<125x80xi32, #tpu.memory_space<vmem>>) target_semaphore(%run_scoped3A : memref<!tpu.dma_semaphore, #tpu.memory_space<semaphore_mem>>)
      %dma_wait3A_89 = arith.constant 0 : i32
      %dma_wait3A_90 = arith.constant 0 : i32
      %dma_wait3A_91 = tpu.memref_slice %arg3[%add3A, %dma_wait3A_89, %dma_wait3A_90] : memref<32x125x80xi32, #tpu.memory_space<hbm>> -> memref<1x125x80xi32, #tpu.memory_space<hbm>>
      %dma_wait3A_92 = tpu.memref_squeeze %dma_wait3A_91 : memref<1x125x80xi32, #tpu.memory_space<hbm>> -> memref<125x80xi32, #tpu.memory_space<hbm>>
      %dma_wait3A_93 = arith.constant 0 : i32
      %dma_wait3A_94 = arith.constant 0 : i32
      %dma_wait3A_95 = tpu.memref_slice %arg3[%add3A, %dma_wait3A_93, %dma_wait3A_94] : memref<32x125x80xi32, #tpu.memory_space<hbm>> -> memref<1x125x80xi32, #tpu.memory_space<hbm>>
      %dma_wait3A_96 = tpu.memref_squeeze %dma_wait3A_95 : memref<1x125x80xi32, #tpu.memory_space<hbm>> -> memref<125x80xi32, #tpu.memory_space<hbm>>
      tpu.wait_dma2 semaphore(%run_scoped3A : memref<!tpu.dma_semaphore, #tpu.memory_space<semaphore_mem>>) src(%dma_wait3A_96 : memref<125x80xi32, #tpu.memory_space<hbm>>) dst(%arg7 : memref<125x80xi32, #tpu.memory_space<vmem>>)
      tpu.yield
    }) : () -> ()
    "tpu.region"() ({
      %run_scoped3A = tpu.sem_alloc : memref<!tpu.dma_semaphore, #tpu.memory_space<semaphore_mem>>
      %dma_start3A_81 = arith.constant 0 : i32
      %dma_start3A_82 = arith.constant 0 : i32
      %dma_start3A_83 = tpu.memref_slice %arg4[%add3A, %dma_start3A_81, %dma_start3A_82] : memref<32x125x80xi32, #tpu.memory_space<hbm>> -> memref<1x125x80xi32, #tpu.memory_space<hbm>>
      %dma_start3A_84 = tpu.memref_squeeze %dma_start3A_83 : memref<1x125x80xi32, #tpu.memory_space<hbm>> -> memref<125x80xi32, #tpu.memory_space<hbm>>
      %dma_start3A_85 = arith.constant 0 : i32
      %dma_start3A_86 = arith.constant 0 : i32
      %dma_start3A_87 = tpu.memref_slice %arg4[%add3A, %dma_start3A_85, %dma_start3A_86] : memref<32x125x80xi32, #tpu.memory_space<hbm>> -> memref<1x125x80xi32, #tpu.memory_space<hbm>>
      %dma_start3A_88 = tpu.memref_squeeze %dma_start3A_87 : memref<1x125x80xi32, #tpu.memory_space<hbm>> -> memref<125x80xi32, #tpu.memory_space<hbm>>
      tpu.enqueue_dma source(%dma_start3A_88 : memref<125x80xi32, #tpu.memory_space<hbm>>) target(%arg8 : memref<125x80xi32, #tpu.memory_space<vmem>>) target_semaphore(%run_scoped3A : memref<!tpu.dma_semaphore, #tpu.memory_space<semaphore_mem>>)
      %dma_wait3A_89 = arith.constant 0 : i32
      %dma_wait3A_90 = arith.constant 0 : i32
      %dma_wait3A_91 = tpu.memref_slice %arg4[%add3A, %dma_wait3A_89, %dma_wait3A_90] : memref<32x125x80xi32, #tpu.memory_space<hbm>> -> memref<1x125x80xi32, #tpu.memory_space<hbm>>
      %dma_wait3A_92 = tpu.memref_squeeze %dma_wait3A_91 : memref<1x125x80xi32, #tpu.memory_space<hbm>> -> memref<125x80xi32, #tpu.memory_space<hbm>>
      %dma_wait3A_93 = arith.constant 0 : i32
      %dma_wait3A_94 = arith.constant 0 : i32
      %dma_wait3A_95 = tpu.memref_slice %arg4[%add3A, %dma_wait3A_93, %dma_wait3A_94] : memref<32x125x80xi32, #tpu.memory_space<hbm>> -> memref<1x125x80xi32, #tpu.memory_space<hbm>>
      %dma_wait3A_96 = tpu.memref_squeeze %dma_wait3A_95 : memref<1x125x80xi32, #tpu.memory_space<hbm>> -> memref<125x80xi32, #tpu.memory_space<hbm>>
      tpu.wait_dma2 semaphore(%run_scoped3A : memref<!tpu.dma_semaphore, #tpu.memory_space<semaphore_mem>>) src(%dma_wait3A_96 : memref<125x80xi32, #tpu.memory_space<hbm>>) dst(%arg8 : memref<125x80xi32, #tpu.memory_space<vmem>>)
      tpu.yield
    }) : () -> ()
    %dma_wait3A = arith.constant 0 : i32
    %dma_wait3A_10 = tpu.memref_slice %arg12[%mul3A_2, %dma_wait3A] : memref<10000x128xf32, #tpu.memory_space<vmem_shared>> -> memref<625x128xf32, #tpu.memory_space<vmem_shared>>
    %dma_wait3A_11 = arith.constant 0 : i32
    %dma_wait3A_12 = tpu.memref_slice %arg2[%mul3A_2, %dma_wait3A_11] : memref<10000x128xf32, #tpu.memory_space<hbm>> -> memref<625x128xf32, #tpu.memory_space<hbm>>
    tpu.wait_dma2 semaphore(%arg13 : memref<!tpu.dma_semaphore, #tpu.memory_space<semaphore_mem>>) src(%dma_wait3A_12 : memref<625x128xf32, #tpu.memory_space<hbm>>) dst(%dma_wait3A_10 : memref<625x128xf32, #tpu.memory_space<vmem_shared>>)
    %barrier3A = arith.constant 0 : index
    tpu.barrier barrier_id(%barrier3A)
    %dma_start3A = arith.constant 0 : i32
    %dma_start3A_13 = arith.constant 0 : i32
    %dma_start3A_14 = tpu.memref_slice %arg7[%dma_start3A, %dma_start3A_13] : memref<125x80xi32, #tpu.memory_space<vmem>> -> memref<1x80xi32, #tpu.memory_space<vmem>>
    %dma_start3A_15 = tpu.memref_squeeze %dma_start3A_14 : memref<1x80xi32, #tpu.memory_space<vmem>> -> memref<80xi32, #tpu.memory_space<vmem>>
    %dma_start3A_16 = arith.constant 0 : i32
    %dma_start3A_17 = arith.constant 0 : i32
    %dma_start3A_18 = tpu.memref_slice %arg2[%dma_start3A_16, %dma_start3A_17] : memref<10000x128xf32, #tpu.memory_space<hbm>> -> memref<10000x128xf32, #tpu.memory_space<hbm>>
    tpu.enqueue_indirect_dma source(%dma_start3A_18 : memref<10000x128xf32, #tpu.memory_space<hbm>>) target(%arg9 : memref<80x128xf32, #tpu.memory_space<vmem>>) offsets(%dma_start3A_15 : memref<80xi32, #tpu.memory_space<vmem>>) semaphore(%arg13 : memref<!tpu.dma_semaphore, #tpu.memory_space<semaphore_mem>>)
    %dma_start3A_19 = arith.constant 1 : i32
    %dma_start3A_20 = arith.constant 0 : i32
    %dma_start3A_21 = tpu.memref_slice %arg7[%dma_start3A_19, %dma_start3A_20] : memref<125x80xi32, #tpu.memory_space<vmem>> -> memref<1x80xi32, #tpu.memory_space<vmem>>
    %dma_start3A_22 = tpu.memref_squeeze %dma_start3A_21 : memref<1x80xi32, #tpu.memory_space<vmem>> -> memref<80xi32, #tpu.memory_space<vmem>>
    %dma_start3A_23 = arith.constant 0 : i32
    %dma_start3A_24 = arith.constant 0 : i32
    %dma_start3A_25 = tpu.memref_slice %arg2[%dma_start3A_23, %dma_start3A_24] : memref<10000x128xf32, #tpu.memory_space<hbm>> -> memref<10000x128xf32, #tpu.memory_space<hbm>>
    tpu.enqueue_indirect_dma source(%dma_start3A_25 : memref<10000x128xf32, #tpu.memory_space<hbm>>) target(%arg10 : memref<80x128xf32, #tpu.memory_space<vmem>>) offsets(%dma_start3A_22 : memref<80xi32, #tpu.memory_space<vmem>>) semaphore(%arg14 : memref<!tpu.dma_semaphore, #tpu.memory_space<semaphore_mem>>)
    %scan3A = arith.constant 0 : i32
    %scan3A_26 = arith.constant 0 : i32
    %scan3A_27 = arith.constant 41 : i32
    %scan3A_28 = arith.addi %scan3A_26, %scan3A_27 : i32
    %scan3A_29 = arith.constant 1 : i32
    scf.for %scan3A_81 = %scan3A_26 to %scan3A_28 step %scan3A_29  : i32 {
      %mul3A_82 = arith.constant 3 : i32
      %mul3A_83 = arith.muli %mul3A_82, %scan3A_81 : i32
      %add3A_84 = arith.constant 0 : i32
      %add3A_85 = arith.addi %mul3A_83, %add3A_84 : i32
      %dma_wait3A_86 = arith.constant 0 : i32
      %dma_wait3A_87 = arith.constant 0 : i32
      %dma_wait3A_88 = tpu.memref_slice %arg7[%dma_wait3A_86, %dma_wait3A_87] : memref<125x80xi32, #tpu.memory_space<vmem>> -> memref<1x80xi32, #tpu.memory_space<vmem>>
      %dma_wait3A_89 = tpu.memref_squeeze %dma_wait3A_88 : memref<1x80xi32, #tpu.memory_space<vmem>> -> memref<80xi32, #tpu.memory_space<vmem>>
      %dma_wait3A_90 = arith.constant 0 : i32
      %dma_wait3A_91 = arith.constant 0 : i32
      %dma_wait3A_92 = tpu.memref_slice %arg2[%dma_wait3A_90, %dma_wait3A_91] : memref<10000x128xf32, #tpu.memory_space<hbm>> -> memref<10000x128xf32, #tpu.memory_space<hbm>>
      tpu.wait_indirect_dma semaphore(%arg13 : memref<!tpu.dma_semaphore, #tpu.memory_space<semaphore_mem>>) src(%dma_wait3A_92 : memref<10000x128xf32, #tpu.memory_space<hbm>>) dst(%arg9 : memref<80x128xf32, #tpu.memory_space<vmem>>)
      %dma_start3A_93 = arith.constant 0 : i32
      %dma_start3A_94 = tpu.memref_slice %arg8[%add3A_85, %dma_start3A_93] : memref<125x80xi32, #tpu.memory_space<vmem>> -> memref<1x80xi32, #tpu.memory_space<vmem>>
      %dma_start3A_95 = tpu.memref_squeeze %dma_start3A_94 : memref<1x80xi32, #tpu.memory_space<vmem>> -> memref<80xi32, #tpu.memory_space<vmem>>
      %dma_start3A_96 = arith.constant 0 : i32
      %dma_start3A_97 = arith.constant 0 : i32
      %dma_start3A_98 = tpu.memref_slice %arg12[%dma_start3A_96, %dma_start3A_97] : memref<10000x128xf32, #tpu.memory_space<vmem_shared>> -> memref<10000x128xf32, #tpu.memory_space<vmem_shared>>
      tpu.enqueue_indirect_dma source(%arg9 : memref<80x128xf32, #tpu.memory_space<vmem>>) target(%dma_start3A_98 : memref<10000x128xf32, #tpu.memory_space<vmem_shared>>) offsets(%dma_start3A_95 : memref<80xi32, #tpu.memory_space<vmem>>) semaphore(%arg16 : memref<!tpu.dma_semaphore, #tpu.memory_space<semaphore_mem>>) {add = true}
      %gt3A = arith.constant 0 : i32
      %gt3A_99 = arith.cmpi sgt, %scan3A_81, %gt3A : i32
      %convert_element_type3A_100 = arith.extui %gt3A_99 : i1 to i32
      %cond3A_101 = arith.constant 0 : i32
      %cond3A_102 = arith.cmpi ne, %convert_element_type3A_100, %cond3A_101 : i32
      scf.if %cond3A_102 {
        %dma_wait3A_175 = arith.constant 0 : i32
        %dma_wait3A_176 = arith.constant 0 : i32
        %dma_wait3A_177 = tpu.memref_slice %arg8[%dma_wait3A_175, %dma_wait3A_176] : memref<125x80xi32, #tpu.memory_space<vmem>> -> memref<1x80xi32, #tpu.memory_space<vmem>>
        %dma_wait3A_178 = tpu.memref_squeeze %dma_wait3A_177 : memref<1x80xi32, #tpu.memory_space<vmem>> -> memref<80xi32, #tpu.memory_space<vmem>>
        %dma_wait3A_179 = arith.constant 0 : i32
        %dma_wait3A_180 = arith.constant 0 : i32
        %dma_wait3A_181 = tpu.memref_slice %arg12[%dma_wait3A_179, %dma_wait3A_180] : memref<10000x128xf32, #tpu.memory_space<vmem_shared>> -> memref<10000x128xf32, #tpu.memory_space<vmem_shared>>
        tpu.wait_indirect_dma semaphore(%arg18 : memref<!tpu.dma_semaphore, #tpu.memory_space<semaphore_mem>>) src(%arg11 : memref<80x128xf32, #tpu.memory_space<vmem>>) dst(%dma_wait3A_181 : memref<10000x128xf32, #tpu.memory_space<vmem_shared>>)
      } else {
      }
      %add3A_103 = arith.constant 2 : i32
      %add3A_104 = arith.addi %add3A_85, %add3A_103 : i32
      %dma_start3A_105 = arith.constant 0 : i32
      %dma_start3A_106 = tpu.memref_slice %arg7[%add3A_104, %dma_start3A_105] : memref<125x80xi32, #tpu.memory_space<vmem>> -> memref<1x80xi32, #tpu.memory_space<vmem>>
      %dma_start3A_107 = tpu.memref_squeeze %dma_start3A_106 : memref<1x80xi32, #tpu.memory_space<vmem>> -> memref<80xi32, #tpu.memory_space<vmem>>
      %dma_start3A_108 = arith.constant 0 : i32
      %dma_start3A_109 = arith.constant 0 : i32
      %dma_start3A_110 = tpu.memref_slice %arg2[%dma_start3A_108, %dma_start3A_109] : memref<10000x128xf32, #tpu.memory_space<hbm>> -> memref<10000x128xf32, #tpu.memory_space<hbm>>
      tpu.enqueue_indirect_dma source(%dma_start3A_110 : memref<10000x128xf32, #tpu.memory_space<hbm>>) target(%arg11 : memref<80x128xf32, #tpu.memory_space<vmem>>) offsets(%dma_start3A_107 : memref<80xi32, #tpu.memory_space<vmem>>) semaphore(%arg15 : memref<!tpu.dma_semaphore, #tpu.memory_space<semaphore_mem>>)
      %mul3A_111 = arith.constant 3 : i32
      %mul3A_112 = arith.muli %mul3A_111, %scan3A_81 : i32
      %add3A_113 = arith.constant 1 : i32
      %add3A_114 = arith.addi %mul3A_112, %add3A_113 : i32
      %dma_wait3A_115 = arith.constant 0 : i32
      %dma_wait3A_116 = arith.constant 0 : i32
      %dma_wait3A_117 = tpu.memref_slice %arg7[%dma_wait3A_115, %dma_wait3A_116] : memref<125x80xi32, #tpu.memory_space<vmem>> -> memref<1x80xi32, #tpu.memory_space<vmem>>
      %dma_wait3A_118 = tpu.memref_squeeze %dma_wait3A_117 : memref<1x80xi32, #tpu.memory_space<vmem>> -> memref<80xi32, #tpu.memory_space<vmem>>
      %dma_wait3A_119 = arith.constant 0 : i32
      %dma_wait3A_120 = arith.constant 0 : i32
      %dma_wait3A_121 = tpu.memref_slice %arg2[%dma_wait3A_119, %dma_wait3A_120] : memref<10000x128xf32, #tpu.memory_space<hbm>> -> memref<10000x128xf32, #tpu.memory_space<hbm>>
      tpu.wait_indirect_dma semaphore(%arg14 : memref<!tpu.dma_semaphore, #tpu.memory_space<semaphore_mem>>) src(%dma_wait3A_121 : memref<10000x128xf32, #tpu.memory_space<hbm>>) dst(%arg10 : memref<80x128xf32, #tpu.memory_space<vmem>>)
      %dma_start3A_122 = arith.constant 0 : i32
      %dma_start3A_123 = tpu.memref_slice %arg8[%add3A_114, %dma_start3A_122] : memref<125x80xi32, #tpu.memory_space<vmem>> -> memref<1x80xi32, #tpu.memory_space<vmem>>
      %dma_start3A_124 = tpu.memref_squeeze %dma_start3A_123 : memref<1x80xi32, #tpu.memory_space<vmem>> -> memref<80xi32, #tpu.memory_space<vmem>>
      %dma_start3A_125 = arith.constant 0 : i32
      %dma_start3A_126 = arith.constant 0 : i32
      %dma_start3A_127 = tpu.memref_slice %arg12[%dma_start3A_125, %dma_start3A_126] : memref<10000x128xf32, #tpu.memory_space<vmem_shared>> -> memref<10000x128xf32, #tpu.memory_space<vmem_shared>>
      tpu.enqueue_indirect_dma source(%arg10 : memref<80x128xf32, #tpu.memory_space<vmem>>) target(%dma_start3A_127 : memref<10000x128xf32, #tpu.memory_space<vmem_shared>>) offsets(%dma_start3A_124 : memref<80xi32, #tpu.memory_space<vmem>>) semaphore(%arg17 : memref<!tpu.dma_semaphore, #tpu.memory_space<semaphore_mem>>) {add = true}
      %dma_wait3A_128 = arith.constant 0 : i32
      %dma_wait3A_129 = arith.constant 0 : i32
      %dma_wait3A_130 = tpu.memref_slice %arg8[%dma_wait3A_128, %dma_wait3A_129] : memref<125x80xi32, #tpu.memory_space<vmem>> -> memref<1x80xi32, #tpu.memory_space<vmem>>
      %dma_wait3A_131 = tpu.memref_squeeze %dma_wait3A_130 : memref<1x80xi32, #tpu.memory_space<vmem>> -> memref<80xi32, #tpu.memory_space<vmem>>
      %dma_wait3A_132 = arith.constant 0 : i32
      %dma_wait3A_133 = arith.constant 0 : i32
      %dma_wait3A_134 = tpu.memref_slice %arg12[%dma_wait3A_132, %dma_wait3A_133] : memref<10000x128xf32, #tpu.memory_space<vmem_shared>> -> memref<10000x128xf32, #tpu.memory_space<vmem_shared>>
      tpu.wait_indirect_dma semaphore(%arg16 : memref<!tpu.dma_semaphore, #tpu.memory_space<semaphore_mem>>) src(%arg9 : memref<80x128xf32, #tpu.memory_space<vmem>>) dst(%dma_wait3A_134 : memref<10000x128xf32, #tpu.memory_space<vmem_shared>>)
      %add3A_135 = arith.constant 2 : i32
      %add3A_136 = arith.addi %add3A_114, %add3A_135 : i32
      %dma_start3A_137 = arith.constant 0 : i32
      %dma_start3A_138 = tpu.memref_slice %arg7[%add3A_136, %dma_start3A_137] : memref<125x80xi32, #tpu.memory_space<vmem>> -> memref<1x80xi32, #tpu.memory_space<vmem>>
      %dma_start3A_139 = tpu.memref_squeeze %dma_start3A_138 : memref<1x80xi32, #tpu.memory_space<vmem>> -> memref<80xi32, #tpu.memory_space<vmem>>
      %dma_start3A_140 = arith.constant 0 : i32
      %dma_start3A_141 = arith.constant 0 : i32
      %dma_start3A_142 = tpu.memref_slice %arg2[%dma_start3A_140, %dma_start3A_141] : memref<10000x128xf32, #tpu.memory_space<hbm>> -> memref<10000x128xf32, #tpu.memory_space<hbm>>
      tpu.enqueue_indirect_dma source(%dma_start3A_142 : memref<10000x128xf32, #tpu.memory_space<hbm>>) target(%arg9 : memref<80x128xf32, #tpu.memory_space<vmem>>) offsets(%dma_start3A_139 : memref<80xi32, #tpu.memory_space<vmem>>) semaphore(%arg13 : memref<!tpu.dma_semaphore, #tpu.memory_space<semaphore_mem>>)
      %mul3A_143 = arith.constant 3 : i32
      %mul3A_144 = arith.muli %mul3A_143, %scan3A_81 : i32
      %add3A_145 = arith.constant 2 : i32
      %add3A_146 = arith.addi %mul3A_144, %add3A_145 : i32
      %dma_wait3A_147 = arith.constant 0 : i32
      %dma_wait3A_148 = arith.constant 0 : i32
      %dma_wait3A_149 = tpu.memref_slice %arg7[%dma_wait3A_147, %dma_wait3A_148] : memref<125x80xi32, #tpu.memory_space<vmem>> -> memref<1x80xi32, #tpu.memory_space<vmem>>
      %dma_wait3A_150 = tpu.memref_squeeze %dma_wait3A_149 : memref<1x80xi32, #tpu.memory_space<vmem>> -> memref<80xi32, #tpu.memory_space<vmem>>
      %dma_wait3A_151 = arith.constant 0 : i32
      %dma_wait3A_152 = arith.constant 0 : i32
      %dma_wait3A_153 = tpu.memref_slice %arg2[%dma_wait3A_151, %dma_wait3A_152] : memref<10000x128xf32, #tpu.memory_space<hbm>> -> memref<10000x128xf32, #tpu.memory_space<hbm>>
      tpu.wait_indirect_dma semaphore(%arg15 : memref<!tpu.dma_semaphore, #tpu.memory_space<semaphore_mem>>) src(%dma_wait3A_153 : memref<10000x128xf32, #tpu.memory_space<hbm>>) dst(%arg11 : memref<80x128xf32, #tpu.memory_space<vmem>>)
      %dma_start3A_154 = arith.constant 0 : i32
      %dma_start3A_155 = tpu.memref_slice %arg8[%add3A_146, %dma_start3A_154] : memref<125x80xi32, #tpu.memory_space<vmem>> -> memref<1x80xi32, #tpu.memory_space<vmem>>
      %dma_start3A_156 = tpu.memref_squeeze %dma_start3A_155 : memref<1x80xi32, #tpu.memory_space<vmem>> -> memref<80xi32, #tpu.memory_space<vmem>>
      %dma_start3A_157 = arith.constant 0 : i32
      %dma_start3A_158 = arith.constant 0 : i32
      %dma_start3A_159 = tpu.memref_slice %arg12[%dma_start3A_157, %dma_start3A_158] : memref<10000x128xf32, #tpu.memory_space<vmem_shared>> -> memref<10000x128xf32, #tpu.memory_space<vmem_shared>>
      tpu.enqueue_indirect_dma source(%arg11 : memref<80x128xf32, #tpu.memory_space<vmem>>) target(%dma_start3A_159 : memref<10000x128xf32, #tpu.memory_space<vmem_shared>>) offsets(%dma_start3A_156 : memref<80xi32, #tpu.memory_space<vmem>>) semaphore(%arg18 : memref<!tpu.dma_semaphore, #tpu.memory_space<semaphore_mem>>) {add = true}
      %dma_wait3A_160 = arith.constant 0 : i32
      %dma_wait3A_161 = arith.constant 0 : i32
      %dma_wait3A_162 = tpu.memref_slice %arg8[%dma_wait3A_160, %dma_wait3A_161] : memref<125x80xi32, #tpu.memory_space<vmem>> -> memref<1x80xi32, #tpu.memory_space<vmem>>
      %dma_wait3A_163 = tpu.memref_squeeze %dma_wait3A_162 : memref<1x80xi32, #tpu.memory_space<vmem>> -> memref<80xi32, #tpu.memory_space<vmem>>
      %dma_wait3A_164 = arith.constant 0 : i32
      %dma_wait3A_165 = arith.constant 0 : i32
      %dma_wait3A_166 = tpu.memref_slice %arg12[%dma_wait3A_164, %dma_wait3A_165] : memref<10000x128xf32, #tpu.memory_space<vmem_shared>> -> memref<10000x128xf32, #tpu.memory_space<vmem_shared>>
      tpu.wait_indirect_dma semaphore(%arg17 : memref<!tpu.dma_semaphore, #tpu.memory_space<semaphore_mem>>) src(%arg10 : memref<80x128xf32, #tpu.memory_space<vmem>>) dst(%dma_wait3A_166 : memref<10000x128xf32, #tpu.memory_space<vmem_shared>>)
      %add3A_167 = arith.constant 2 : i32
      %add3A_168 = arith.addi %add3A_146, %add3A_167 : i32
      %dma_start3A_169 = arith.constant 0 : i32
      %dma_start3A_170 = tpu.memref_slice %arg7[%add3A_168, %dma_start3A_169] : memref<125x80xi32, #tpu.memory_space<vmem>> -> memref<1x80xi32, #tpu.memory_space<vmem>>
      %dma_start3A_171 = tpu.memref_squeeze %dma_start3A_170 : memref<1x80xi32, #tpu.memory_space<vmem>> -> memref<80xi32, #tpu.memory_space<vmem>>
      %dma_start3A_172 = arith.constant 0 : i32
      %dma_start3A_173 = arith.constant 0 : i32
      %dma_start3A_174 = tpu.memref_slice %arg2[%dma_start3A_172, %dma_start3A_173] : memref<10000x128xf32, #tpu.memory_space<hbm>> -> memref<10000x128xf32, #tpu.memory_space<hbm>>
      tpu.enqueue_indirect_dma source(%dma_start3A_174 : memref<10000x128xf32, #tpu.memory_space<hbm>>) target(%arg10 : memref<80x128xf32, #tpu.memory_space<vmem>>) offsets(%dma_start3A_171 : memref<80xi32, #tpu.memory_space<vmem>>) semaphore(%arg14 : memref<!tpu.dma_semaphore, #tpu.memory_space<semaphore_mem>>)
    }
    %scan3A_30 = arith.constant 41 : i32
    %dma_wait3A_31 = arith.constant 0 : i32
    %dma_wait3A_32 = arith.constant 0 : i32
    %dma_wait3A_33 = tpu.memref_slice %arg7[%dma_wait3A_31, %dma_wait3A_32] : memref<125x80xi32, #tpu.memory_space<vmem>> -> memref<1x80xi32, #tpu.memory_space<vmem>>
    %dma_wait3A_34 = tpu.memref_squeeze %dma_wait3A_33 : memref<1x80xi32, #tpu.memory_space<vmem>> -> memref<80xi32, #tpu.memory_space<vmem>>
    %dma_wait3A_35 = arith.constant 0 : i32
    %dma_wait3A_36 = arith.constant 0 : i32
    %dma_wait3A_37 = tpu.memref_slice %arg2[%dma_wait3A_35, %dma_wait3A_36] : memref<10000x128xf32, #tpu.memory_space<hbm>> -> memref<10000x128xf32, #tpu.memory_space<hbm>>
    tpu.wait_indirect_dma semaphore(%arg13 : memref<!tpu.dma_semaphore, #tpu.memory_space<semaphore_mem>>) src(%dma_wait3A_37 : memref<10000x128xf32, #tpu.memory_space<hbm>>) dst(%arg9 : memref<80x128xf32, #tpu.memory_space<vmem>>)
    %dma_wait3A_38 = arith.constant 0 : i32
    %dma_wait3A_39 = arith.constant 0 : i32
    %dma_wait3A_40 = tpu.memref_slice %arg8[%dma_wait3A_38, %dma_wait3A_39] : memref<125x80xi32, #tpu.memory_space<vmem>> -> memref<1x80xi32, #tpu.memory_space<vmem>>
    %dma_wait3A_41 = tpu.memref_squeeze %dma_wait3A_40 : memref<1x80xi32, #tpu.memory_space<vmem>> -> memref<80xi32, #tpu.memory_space<vmem>>
    %dma_wait3A_42 = arith.constant 0 : i32
    %dma_wait3A_43 = arith.constant 0 : i32
    %dma_wait3A_44 = tpu.memref_slice %arg12[%dma_wait3A_42, %dma_wait3A_43] : memref<10000x128xf32, #tpu.memory_space<vmem_shared>> -> memref<10000x128xf32, #tpu.memory_space<vmem_shared>>
    tpu.wait_indirect_dma semaphore(%arg18 : memref<!tpu.dma_semaphore, #tpu.memory_space<semaphore_mem>>) src(%arg11 : memref<80x128xf32, #tpu.memory_space<vmem>>) dst(%dma_wait3A_44 : memref<10000x128xf32, #tpu.memory_space<vmem_shared>>)
    %dma_start3A_45 = arith.constant 123 : i32
    %dma_start3A_46 = arith.constant 0 : i32
    %dma_start3A_47 = tpu.memref_slice %arg8[%dma_start3A_45, %dma_start3A_46] : memref<125x80xi32, #tpu.memory_space<vmem>> -> memref<1x80xi32, #tpu.memory_space<vmem>>
    %dma_start3A_48 = tpu.memref_squeeze %dma_start3A_47 : memref<1x80xi32, #tpu.memory_space<vmem>> -> memref<80xi32, #tpu.memory_space<vmem>>
    %dma_start3A_49 = arith.constant 0 : i32
    %dma_start3A_50 = arith.constant 0 : i32
    %dma_start3A_51 = tpu.memref_slice %arg12[%dma_start3A_49, %dma_start3A_50] : memref<10000x128xf32, #tpu.memory_space<vmem_shared>> -> memref<10000x128xf32, #tpu.memory_space<vmem_shared>>
    tpu.enqueue_indirect_dma source(%arg9 : memref<80x128xf32, #tpu.memory_space<vmem>>) target(%dma_start3A_51 : memref<10000x128xf32, #tpu.memory_space<vmem_shared>>) offsets(%dma_start3A_48 : memref<80xi32, #tpu.memory_space<vmem>>) semaphore(%arg16 : memref<!tpu.dma_semaphore, #tpu.memory_space<semaphore_mem>>) {add = true}
    %dma_wait3A_52 = arith.constant 0 : i32
    %dma_wait3A_53 = arith.constant 0 : i32
    %dma_wait3A_54 = tpu.memref_slice %arg7[%dma_wait3A_52, %dma_wait3A_53] : memref<125x80xi32, #tpu.memory_space<vmem>> -> memref<1x80xi32, #tpu.memory_space<vmem>>
    %dma_wait3A_55 = tpu.memref_squeeze %dma_wait3A_54 : memref<1x80xi32, #tpu.memory_space<vmem>> -> memref<80xi32, #tpu.memory_space<vmem>>
    %dma_wait3A_56 = arith.constant 0 : i32
    %dma_wait3A_57 = arith.constant 0 : i32
    %dma_wait3A_58 = tpu.memref_slice %arg2[%dma_wait3A_56, %dma_wait3A_57] : memref<10000x128xf32, #tpu.memory_space<hbm>> -> memref<10000x128xf32, #tpu.memory_space<hbm>>
    tpu.wait_indirect_dma semaphore(%arg14 : memref<!tpu.dma_semaphore, #tpu.memory_space<semaphore_mem>>) src(%dma_wait3A_58 : memref<10000x128xf32, #tpu.memory_space<hbm>>) dst(%arg10 : memref<80x128xf32, #tpu.memory_space<vmem>>)
    %dma_wait3A_59 = arith.constant 0 : i32
    %dma_wait3A_60 = arith.constant 0 : i32
    %dma_wait3A_61 = tpu.memref_slice %arg8[%dma_wait3A_59, %dma_wait3A_60] : memref<125x80xi32, #tpu.memory_space<vmem>> -> memref<1x80xi32, #tpu.memory_space<vmem>>
    %dma_wait3A_62 = tpu.memref_squeeze %dma_wait3A_61 : memref<1x80xi32, #tpu.memory_space<vmem>> -> memref<80xi32, #tpu.memory_space<vmem>>
    %dma_wait3A_63 = arith.constant 0 : i32
    %dma_wait3A_64 = arith.constant 0 : i32
    %dma_wait3A_65 = tpu.memref_slice %arg12[%dma_wait3A_63, %dma_wait3A_64] : memref<10000x128xf32, #tpu.memory_space<vmem_shared>> -> memref<10000x128xf32, #tpu.memory_space<vmem_shared>>
    tpu.wait_indirect_dma semaphore(%arg16 : memref<!tpu.dma_semaphore, #tpu.memory_space<semaphore_mem>>) src(%arg9 : memref<80x128xf32, #tpu.memory_space<vmem>>) dst(%dma_wait3A_65 : memref<10000x128xf32, #tpu.memory_space<vmem_shared>>)
    %dma_start3A_66 = arith.constant 124 : i32
    %dma_start3A_67 = arith.constant 0 : i32
    %dma_start3A_68 = tpu.memref_slice %arg8[%dma_start3A_66, %dma_start3A_67] : memref<125x80xi32, #tpu.memory_space<vmem>> -> memref<1x80xi32, #tpu.memory_space<vmem>>
    %dma_start3A_69 = tpu.memref_squeeze %dma_start3A_68 : memref<1x80xi32, #tpu.memory_space<vmem>> -> memref<80xi32, #tpu.memory_space<vmem>>
    %dma_start3A_70 = arith.constant 0 : i32
    %dma_start3A_71 = arith.constant 0 : i32
    %dma_start3A_72 = tpu.memref_slice %arg12[%dma_start3A_70, %dma_start3A_71] : memref<10000x128xf32, #tpu.memory_space<vmem_shared>> -> memref<10000x128xf32, #tpu.memory_space<vmem_shared>>
    tpu.enqueue_indirect_dma source(%arg10 : memref<80x128xf32, #tpu.memory_space<vmem>>) target(%dma_start3A_72 : memref<10000x128xf32, #tpu.memory_space<vmem_shared>>) offsets(%dma_start3A_69 : memref<80xi32, #tpu.memory_space<vmem>>) semaphore(%arg17 : memref<!tpu.dma_semaphore, #tpu.memory_space<semaphore_mem>>) {add = true}
    %dma_wait3A_73 = arith.constant 0 : i32
    %dma_wait3A_74 = arith.constant 0 : i32
    %dma_wait3A_75 = tpu.memref_slice %arg8[%dma_wait3A_73, %dma_wait3A_74] : memref<125x80xi32, #tpu.memory_space<vmem>> -> memref<1x80xi32, #tpu.memory_space<vmem>>
    %dma_wait3A_76 = tpu.memref_squeeze %dma_wait3A_75 : memref<1x80xi32, #tpu.memory_space<vmem>> -> memref<80xi32, #tpu.memory_space<vmem>>
    %dma_wait3A_77 = arith.constant 0 : i32
    %dma_wait3A_78 = arith.constant 0 : i32
    %dma_wait3A_79 = tpu.memref_slice %arg12[%dma_wait3A_77, %dma_wait3A_78] : memref<10000x128xf32, #tpu.memory_space<vmem_shared>> -> memref<10000x128xf32, #tpu.memory_space<vmem_shared>>
    tpu.wait_indirect_dma semaphore(%arg17 : memref<!tpu.dma_semaphore, #tpu.memory_space<semaphore_mem>>) src(%arg10 : memref<80x128xf32, #tpu.memory_space<vmem>>) dst(%dma_wait3A_79 : memref<10000x128xf32, #tpu.memory_space<vmem_shared>>)
    %barrier3A_80 = arith.constant 0 : index
    tpu.barrier barrier_id(%barrier3A_80)
    "tpu.region"() ({
      %run_scoped3A = tpu.sem_alloc : memref<!tpu.dma_semaphore, #tpu.memory_space<semaphore_mem>>
      %dma_start3A_81 = arith.constant 0 : i32
      %dma_start3A_82 = tpu.memref_slice %arg6[%arg0, %mul3A_2, %dma_start3A_81] : memref<2x10000x128xf32, #tpu.memory_space<hbm>> -> memref<1x625x128xf32, #tpu.memory_space<hbm>>
      %dma_start3A_83 = tpu.memref_squeeze %dma_start3A_82 : memref<1x625x128xf32, #tpu.memory_space<hbm>> -> memref<625x128xf32, #tpu.memory_space<hbm>>
      %dma_start3A_84 = arith.constant 0 : i32
      %dma_start3A_85 = tpu.memref_slice %arg12[%mul3A_2, %dma_start3A_84] : memref<10000x128xf32, #tpu.memory_space<vmem_shared>> -> memref<625x128xf32, #tpu.memory_space<vmem_shared>>
      tpu.enqueue_dma source(%dma_start3A_85 : memref<625x128xf32, #tpu.memory_space<vmem_shared>>) target(%dma_start3A_83 : memref<625x128xf32, #tpu.memory_space<hbm>>) target_semaphore(%run_scoped3A : memref<!tpu.dma_semaphore, #tpu.memory_space<semaphore_mem>>)
      %dma_wait3A_86 = arith.constant 0 : i32
      %dma_wait3A_87 = tpu.memref_slice %arg6[%arg0, %mul3A_2, %dma_wait3A_86] : memref<2x10000x128xf32, #tpu.memory_space<hbm>> -> memref<1x625x128xf32, #tpu.memory_space<hbm>>
      %dma_wait3A_88 = tpu.memref_squeeze %dma_wait3A_87 : memref<1x625x128xf32, #tpu.memory_space<hbm>> -> memref<625x128xf32, #tpu.memory_space<hbm>>
      %dma_wait3A_89 = arith.constant 0 : i32
      %dma_wait3A_90 = tpu.memref_slice %arg12[%mul3A_2, %dma_wait3A_89] : memref<10000x128xf32, #tpu.memory_space<vmem_shared>> -> memref<625x128xf32, #tpu.memory_space<vmem_shared>>
      tpu.wait_dma2 semaphore(%run_scoped3A : memref<!tpu.dma_semaphore, #tpu.memory_space<semaphore_mem>>) src(%dma_wait3A_90 : memref<625x128xf32, #tpu.memory_space<vmem_shared>>) dst(%dma_wait3A_88 : memref<625x128xf32, #tpu.memory_space<hbm>>)
      tpu.yield
    }) : () -> ()
    return
  }
}

module attributes {stable_mosaic.version = 14 : i64} {
  func.func @_prep_body(%arg0: memref<10000x128xf32, #tpu.memory_space<vmem>>, %arg1: memref<128x128xf32, #tpu.memory_space<vmem>>, %arg2: memref<32x10000xf32, #tpu.memory_space<vmem>>, %arg3: memref<10000x128xf32, #tpu.memory_space<vmem>>, %arg4: memref<10000x1xf32, #tpu.memory_space<vmem>>) attributes {dimension_semantics = [], scalar_prefetch = 0 : i64, scratch_operands = 0 : i64, tpu.core_type = #tpu.core_type<tc>} {
    %get3A = arith.constant 0 : index
    %get3A_0 = arith.constant 0 : index
    %get3A_1 = vector.load %arg2[%get3A, %get3A_0] : memref<32x10000xf32, #tpu.memory_space<vmem>>, vector<32x10000xf32>
    %reduce_sum3A = arith.constant dense<0.000000e+00> : vector<10000xf32>
    %reduce_sum3A_2 = vector.multi_reduction <add>, %get3A_1, %reduce_sum3A [0] : vector<32x10000xf32> to vector<10000xf32>
    %add3A = arith.constant 1.000000e+00 : f32
    %add3A_3 = vector.broadcast %add3A : f32 to vector<10000xf32>
    %add3A_4 = arith.addf %reduce_sum3A_2, %add3A_3 : vector<10000xf32>
    %rsqrt3A = math.rsqrt %add3A_4 : vector<10000xf32>
    %broadcast_in_dim3A = vector.shape_cast %rsqrt3A : vector<10000xf32> to vector<10000x1xf32>
    %get3A_5 = arith.constant 0 : index
    %get3A_6 = arith.constant 0 : index
    %get3A_7 = vector.load %arg0[%get3A_5, %get3A_6] : memref<10000x128xf32, #tpu.memory_space<vmem>>, vector<10000x128xf32>
    %get3A_8 = arith.constant 0 : index
    %get3A_9 = arith.constant 0 : index
    %get3A_10 = vector.load %arg1[%get3A_8, %get3A_9] : memref<128x128xf32, #tpu.memory_space<vmem>>, vector<128x128xf32>
    %dot_general3A = arith.constant dense<0.000000e+00> : vector<10000x128xf32>
    %dot_general3A_11 = tpu.matmul %get3A_7, %get3A_10, %dot_general3A {dimension_numbers = #tpu.dot_dimension_numbers<[1], [0], [0], [1], [0, 0, 1, 1], [], []>, transpose_lhs_hint = false} : vector<10000x128xf32>, vector<128x128xf32>, vector<10000x128xf32> -> vector<10000x128xf32>
    %mul3A = vector.broadcast %broadcast_in_dim3A : vector<10000x1xf32> to vector<10000x128xf32>
    %mul3A_12 = arith.mulf %dot_general3A_11, %mul3A : vector<10000x128xf32>
    %swap3A = arith.constant 0 : index
    %swap3A_13 = arith.constant 0 : index
    %swap3A_14 = vector.load %arg3[%swap3A, %swap3A_13] : memref<10000x128xf32, #tpu.memory_space<vmem>>, vector<10000x128xf32>
    tpu.vector_store %arg3[%swap3A, %swap3A_13], %mul3A_12 {strides = array<i32>} : memref<10000x128xf32, #tpu.memory_space<vmem>>, vector<10000x128xf32>,
    %swap3A_15 = arith.constant 0 : index
    %swap3A_16 = arith.constant 0 : index
    %swap3A_17 = vector.load %arg4[%swap3A_15, %swap3A_16] : memref<10000x1xf32, #tpu.memory_space<vmem>>, vector<10000x1xf32>
    tpu.vector_store %arg4[%swap3A_15, %swap3A_16], %broadcast_in_dim3A {strides = array<i32>} : memref<10000x1xf32, #tpu.memory_space<vmem>>, vector<10000x1xf32>,
    return
  }
}

module attributes {stable_mosaic.version = 14 : i64} {
  func.func @_mid_body(%arg0: memref<2x10000x128xf32, #tpu.memory_space<vmem>>, %arg1: memref<10000x1xf32, #tpu.memory_space<vmem>>, %arg2: memref<1x128xf32, #tpu.memory_space<vmem>>, %arg3: memref<128x128xf32, #tpu.memory_space<vmem>>, %arg4: memref<10000x128xf32, #tpu.memory_space<vmem>>) attributes {dimension_semantics = [], scalar_prefetch = 0 : i64, scratch_operands = 0 : i64, tpu.core_type = #tpu.core_type<tc>} {
    %get3A = arith.constant 0 : index
    %get3A_0 = arith.constant 0 : index
    %get3A_1 = vector.load %arg1[%get3A, %get3A_0] : memref<10000x1xf32, #tpu.memory_space<vmem>>, vector<10000x1xf32>
    %get3A_2 = arith.constant 0 : index
    %get3A_3 = arith.constant 0 : index
    %get3A_4 = arith.constant 0 : index
    %get3A_5 = vector.load %arg0[%get3A_2, %get3A_3, %get3A_4] : memref<2x10000x128xf32, #tpu.memory_space<vmem>>, vector<1x10000x128xf32>
    %get3A_6 = vector.shape_cast %get3A_5 : vector<1x10000x128xf32> to vector<10000x128xf32>
    %get3A_7 = arith.constant 1 : index
    %get3A_8 = arith.constant 0 : index
    %get3A_9 = arith.constant 0 : index
    %get3A_10 = vector.load %arg0[%get3A_7, %get3A_8, %get3A_9] : memref<2x10000x128xf32, #tpu.memory_space<vmem>>, vector<1x10000x128xf32>
    %get3A_11 = vector.shape_cast %get3A_10 : vector<1x10000x128xf32> to vector<10000x128xf32>
    %add3A = arith.addf %get3A_6, %get3A_11 : vector<10000x128xf32>
    %mul3A = vector.broadcast %get3A_1 : vector<10000x1xf32> to vector<10000x128xf32>
    %mul3A_12 = arith.mulf %add3A, %mul3A : vector<10000x128xf32>
    %get3A_13 = arith.constant 0 : index
    %get3A_14 = arith.constant 0 : index
    %get3A_15 = vector.load %arg2[%get3A_13, %get3A_14] : memref<1x128xf32, #tpu.memory_space<vmem>>, vector<1x128xf32>
    %add3A_16 = vector.broadcast %get3A_15 : vector<1x128xf32> to vector<10000x128xf32>
    %add3A_17 = arith.addf %mul3A_12, %add3A_16 : vector<10000x128xf32>
    %max3A = arith.constant 0.000000e+00 : f32
    %max3A_18 = vector.broadcast %max3A : f32 to vector<10000x128xf32>
    %max3A_19 = arith.maximumf %add3A_17, %max3A_18 : vector<10000x128xf32>
    %get3A_20 = arith.constant 0 : index
    %get3A_21 = arith.constant 0 : index
    %get3A_22 = vector.load %arg3[%get3A_20, %get3A_21] : memref<128x128xf32, #tpu.memory_space<vmem>>, vector<128x128xf32>
    %dot_general3A = arith.constant dense<0.000000e+00> : vector<10000x128xf32>
    %dot_general3A_23 = tpu.matmul %max3A_19, %get3A_22, %dot_general3A {dimension_numbers = #tpu.dot_dimension_numbers<[1], [0], [0], [1], [0, 0, 1, 1], [], []>, transpose_lhs_hint = false} : vector<10000x128xf32>, vector<128x128xf32>, vector<10000x128xf32> -> vector<10000x128xf32>
    %mul3A_24 = vector.broadcast %get3A_1 : vector<10000x1xf32> to vector<10000x128xf32>
    %mul3A_25 = arith.mulf %dot_general3A_23, %mul3A_24 : vector<10000x128xf32>
    %swap3A = arith.constant 0 : index
    %swap3A_26 = arith.constant 0 : index
    %swap3A_27 = vector.load %arg4[%swap3A, %swap3A_26] : memref<10000x128xf32, #tpu.memory_space<vmem>>, vector<10000x128xf32>
    tpu.vector_store %arg4[%swap3A, %swap3A_26], %mul3A_25 {strides = array<i32>} : memref<10000x128xf32, #tpu.memory_space<vmem>>, vector<10000x128xf32>,
    return
  }
}

module attributes {stable_mosaic.version = 14 : i64} {
  func.func @_final_body(%arg0: memref<2x10000x128xf32, #tpu.memory_space<vmem>>, %arg1: memref<10000x1xf32, #tpu.memory_space<vmem>>, %arg2: memref<1x128xf32, #tpu.memory_space<vmem>>, %arg3: memref<1x10000xi32, #tpu.memory_space<vmem>>, %arg4: memref<64x128xf32, #tpu.memory_space<vmem>>) attributes {dimension_semantics = [], scalar_prefetch = 0 : i64, scratch_operands = 0 : i64, tpu.core_type = #tpu.core_type<tc>} {
    %get3A = arith.constant 0 : index
    %get3A_0 = arith.constant 0 : index
    %get3A_1 = vector.load %arg1[%get3A, %get3A_0] : memref<10000x1xf32, #tpu.memory_space<vmem>>, vector<10000x1xf32>
    %get3A_2 = arith.constant 0 : index
    %get3A_3 = arith.constant 0 : index
    %get3A_4 = arith.constant 0 : index
    %get3A_5 = vector.load %arg0[%get3A_2, %get3A_3, %get3A_4] : memref<2x10000x128xf32, #tpu.memory_space<vmem>>, vector<1x10000x128xf32>
    %get3A_6 = vector.shape_cast %get3A_5 : vector<1x10000x128xf32> to vector<10000x128xf32>
    %get3A_7 = arith.constant 1 : index
    %get3A_8 = arith.constant 0 : index
    %get3A_9 = arith.constant 0 : index
    %get3A_10 = vector.load %arg0[%get3A_7, %get3A_8, %get3A_9] : memref<2x10000x128xf32, #tpu.memory_space<vmem>>, vector<1x10000x128xf32>
    %get3A_11 = vector.shape_cast %get3A_10 : vector<1x10000x128xf32> to vector<10000x128xf32>
    %add3A = arith.addf %get3A_6, %get3A_11 : vector<10000x128xf32>
    %mul3A = vector.broadcast %get3A_1 : vector<10000x1xf32> to vector<10000x128xf32>
    %mul3A_12 = arith.mulf %add3A, %mul3A : vector<10000x128xf32>
    %get3A_13 = arith.constant 0 : index
    %get3A_14 = arith.constant 0 : index
    %get3A_15 = vector.load %arg2[%get3A_13, %get3A_14] : memref<1x128xf32, #tpu.memory_space<vmem>>, vector<1x128xf32>
    %add3A_16 = vector.broadcast %get3A_15 : vector<1x128xf32> to vector<10000x128xf32>
    %add3A_17 = arith.addf %mul3A_12, %add3A_16 : vector<10000x128xf32>
    %max3A = arith.constant 0.000000e+00 : f32
    %max3A_18 = vector.broadcast %max3A : f32 to vector<10000x128xf32>
    %max3A_19 = arith.maximumf %add3A_17, %max3A_18 : vector<10000x128xf32>
    %iota3A = tpu.iota {dimensions = array<i32: 0>} : vector<64x10000xi32>
    %get3A_20 = arith.constant 0 : index
    %get3A_21 = arith.constant 0 : index
    %get3A_22 = vector.load %arg3[%get3A_20, %get3A_21] : memref<1x10000xi32, #tpu.memory_space<vmem>>, vector<1x10000xi32>
    %eq3A = vector.broadcast %get3A_22 : vector<1x10000xi32> to vector<64x10000xi32>
    %eq3A_23 = arith.cmpi eq, %eq3A, %iota3A : vector<64x10000xi32>
    %convert_element_type3A = arith.extui %eq3A_23 : vector<64x10000xi1> to vector<64x10000xi32>
    %convert_element_type3A_24 = arith.sitofp %convert_element_type3A : vector<64x10000xi32> to vector<64x10000xf32>
    %dot_general3A = arith.constant dense<0.000000e+00> : vector<64x128xf32>
    %dot_general3A_25 = tpu.matmul %convert_element_type3A_24, %max3A_19, %dot_general3A {dimension_numbers = #tpu.dot_dimension_numbers<[1], [0], [0], [1], [0, 0, 1, 1], [], []>, transpose_lhs_hint = false} : vector<64x10000xf32>, vector<10000x128xf32>, vector<64x128xf32> -> vector<64x128xf32>
    %reduce_sum3A = arith.constant dense<0.000000e+00> : vector<64xf32>
    %reduce_sum3A_26 = vector.multi_reduction <add>, %convert_element_type3A_24, %reduce_sum3A [1] : vector<64x10000xf32> to vector<64xf32>
    %broadcast_in_dim3A = vector.shape_cast %reduce_sum3A_26 : vector<64xf32> to vector<64x1xf32>
    %max3A_27 = arith.constant 1.000000e+00 : f32
    %max3A_28 = vector.broadcast %max3A_27 : f32 to vector<64x1xf32>
    %max3A_29 = arith.maximumf %broadcast_in_dim3A, %max3A_28 : vector<64x1xf32>
    %div3A = vector.broadcast %max3A_29 : vector<64x1xf32> to vector<64x128xf32>
    %div3A_30 = arith.divf %dot_general3A_25, %div3A : vector<64x128xf32>
    %swap3A = arith.constant 0 : index
    %swap3A_31 = arith.constant 0 : index
    %swap3A_32 = vector.load %arg4[%swap3A, %swap3A_31] : memref<64x128xf32, #tpu.memory_space<vmem>>, vector<64x128xf32>
    tpu.vector_store %arg4[%swap3A, %swap3A_31], %div3A_30 {strides = array<i32>} : memref<64x128xf32, #tpu.memory_space<vmem>>, vector<64x128xf32>,
    return
  }
}

</mosaic_0001>

<sc_bundles>
// kernel: kernel.11.cloned.1.call-start
scs
__scs_entry_jumppad:
0x0: {  	(pc) =	sbr.rel $0x88, $3  }
0x1: {  	(tag) =	ssettag $0x0;
	lr =	simm.s32 $0x1  }
0x2: {  	[smem:$0x3F9A] =	sst lr;
	_ =	strace $0xD0000000  }
0x3: {  	_ = 	snop  }
0x4: {  	_ = 	snop  }
0x5: {  	_ = 	snop  }
0x6: {  	_ = 	snop  }
0x7: {  	_ = 	snop  }
__scs_overlays_trampoline_lowered:
0x8: {  	[smem:$0x3FA9] =	sst s0  }
0x9: {  	[smem:$0x3FAA] =	sst s1  }
0xa: {  	[smem:$0x3FAB] =	sst s2  }
0xb: {  	[smem:$0x3FAC] =	sst s3  }
0xc: {  	[smem:$0x3FAD] =	sst s4  }
0xd: {  	[smem:$0x3FAE] =	sst s5  }
0xe: {  	[smem:$0x3FAF] =	sst s6  }
0xf: {  	[smem:$0x3FB0] =	sst s7  }
0x10: {  	[smem:$0x3FB1] =	sst s8  }
0x11: {  	[smem:$0x3FB2] =	sst s9;
	s0 =	simm.s32 @!p0 $0x0  }
0x12: {  	s1 =	sld [smem:$0x3F98];
	s0 =	simm.s32 @p0 $0x1  }
0x13: {  	[smem:$0x3FB3] =	sst s0;
	s0 =	simm.s32 @!p1 $0x0  }
0x14: {  	s2 =	sld [smem:$0x3F97];
	s0 =	simm.s32 @p1 $0x1  }
0x15: {  	[smem:$0x3FB4] =	sst s0;
	s0 =	simm.s32 @!p2 $0x0  }
0x16: {  	s3 =	sld [smem:$0x3FDB];
	s0 =	simm.s32 @p2 $0x1  }
0x17: {  	s4 =	simm.s32 $0x1BF5;
	[smem:$0x3FB6] =	sst s0  }
0x18: {  	s0 =	sld [smem:$0x3F99];
	_ =	swait.ge [sflag:s4], $0x0  }
0x19: {  	s7 =	sld [smem:$0x3F9A]  }
0x1a: {  	s8 =	sadd.s32 $0xFFFFE003, lr  }
0x1b: {  	s9 =	sadd.s32 $0xFFFFFEF7, lr;
	s5 =	simm.s32 $0xFFFFFFFF;
	p2 =	slt.u32 s8, $0xFFFFF086  }
0x1c: {  	p1 =	slt.u32 s9, $0xF7A;
	s5 =	simm.s32 @!p2 $0x0  }
0x1d: {  	s5 =	simm.s32 @p1 $0x1;
	p0 =	seq.s32 s7, s2  }
0x1e: {  	s7 =	smul.u32 @!p0 $0xF7A, s2;
	p2 =	seq.s32 @!p0 s5, $0x0  }
0x1f: {  	s9 =	smul.u32 $0xF7A, s1;
	s8 =	simm.s32 @!p0 $0x1BF5;
	p2 =	por !p2, p0  }
0x20: {  	[sflag:s8] =	ssyncset.s32 @!p0 $0xFFFFF086;
	s6 =	sadd.s32 @!p0 s3, s7;
	s7 =	simm.s32 @!p0 $0x108  }
0x21: {  	s3 =	sadd.s32 s3, s9;
	s6 =	sadd.s32 @!p0 $0x88, s6;
	s7 =	simm.s32 @p2 $0x1082  }
0x22: {  	[simem:s7], [sflag:s8] =	dma.local @!p0 [hbm:s6], $0xF7A  }
0x23: {  	s9 =	sor.u32 $0xD0000000, s2;
	s6 =	simm.s32 $0x108;
	_ =	swait.ge @!p0 [sflag:s8], $0x0  }
0x24: {  	s3 =	sadd.s32 $0x88, s3;
	s6 =	simm.s32 @!p1 $0x1082;
	[sflag:s4] =	ssyncset.s32 $0xFFFFF086  }
0x25: {  	[simem:s6], [sflag:s4] =	dma.local [hbm:s3], $0xF7A  }
0x26: {  	[smem:$0x3F9A] =	sst s1;
	(tag) =	ssettag s2;
	_ =	strace s9  }
0x27: {  	s1 =	sld [smem:$0x3FAA]  }
0x28: {  	s2 =	sld [smem:$0x3FAB]  }
0x29: {  	s4 =	sld [smem:$0x3FAD]  }
0x2a: {  	p0 =	seq.s32 s5, $0x0;
	s5 =	sld [smem:$0x3FAE]  }
0x2b: {  	s6 =	sld [smem:$0x3FAF]  }
0x2c: {  	s7 =	sld [smem:$0x3FB0]  }
0x2d: {  	s3 =	simm.s32 $0x108;
	s8 =	sld [smem:$0x3FB1]  }
0x2e: {  	s3 =	simm.s32 @!p0 $0x1082;
	s9 =	sld [smem:$0x3FB2]  }
0x2f: {  	lr =	sadd.s32 s0, s3;
	s0 =	sld [smem:$0x3FA9]  }
0x30: {  	s3 =	sld [smem:$0x3FAC]  }
0x31: {  	[smem:$0x3FB5] =	sst s10  }
0x32: {  	s10 =	sld [smem:$0x3FB3];
	_ =	sdelay $0x3  }
0x33: {  	p0 =	seq.s32 s10, $0x1;
	s10 =	sld [smem:$0x3FB5];
	_ =	sdelay $0x3  }
0x34: {  	[smem:$0x3FB5] =	sst s10  }
0x35: {  	s10 =	sld [smem:$0x3FB4];
	_ =	sdelay $0x3  }
0x36: {  	p1 =	seq.s32 s10, $0x1;
	s10 =	sld [smem:$0x3FB5];
	_ =	sdelay $0x3  }
0x37: {  	[smem:$0x3FB5] =	sst s10  }
0x38: {  	s10 =	sld [smem:$0x3FB6]  }
0x39: {  	_ = 	snop;
	(pc) =	sbr.ind lr, $3  }
0x3a: {  	_ = 	snop  }
0x3b: {  	_ = 	snop  }
0x3c: {  	p2 =	seq.s32 s10, $0x1;
	s10 =	sld [smem:$0x3FB5]  }
0x3d: {  	_ =	shalt  }
0x3e: {  	_ =	shalt  }
0x3f: {  	_ =	shalt  }
0x40: {  	_ =	shalt  }
0x41: {  	_ =	shalt  }
0x42: {  	_ =	shalt  }
0x43: {  	_ =	shalt  }
0x44: {  	_ =	shalt  }
0x45: {  	_ =	shalt  }
0x46: {  	_ =	shalt  }
0x47: {  	_ =	shalt  }
0x48: {  	_ =	shalt  }
0x49: {  	_ =	shalt  }
0x4a: {  	_ =	shalt  }
0x4b: {  	_ =	shalt  }
0x4c: {  	_ =	shalt  }
0x4d: {  	_ =	shalt  }
0x4e: {  	_ =	shalt  }
0x4f: {  	_ =	shalt  }
0x50: {  	_ =	shalt  }
0x51: {  	_ =	shalt  }
0x52: {  	_ =	shalt  }
0x53: {  	_ =	shalt  }
0x54: {  	_ =	shalt  }
0x55: {  	_ =	shalt  }
0x56: {  	_ =	shalt  }
0x57: {  	_ =	shalt  }
0x58: {  	_ =	shalt  }
0x59: {  	_ =	shalt  }
0x5a: {  	_ =	shalt  }
0x5b: {  	_ =	shalt  }
0x5c: {  	_ =	shalt  }
0x5d: {  	_ =	shalt  }
0x5e: {  	_ =	shalt  }
0x5f: {  	_ =	shalt  }
0x60: {  	_ =	shalt  }
0x61: {  	_ =	shalt  }
0x62: {  	_ =	shalt  }
0x63: {  	_ =	shalt  }
0x64: {  	_ =	shalt  }
0x65: {  	_ =	shalt  }
0x66: {  	_ =	shalt  }
0x67: {  	_ =	shalt  }
0x68: {  	_ =	shalt  }
0x69: {  	_ =	shalt  }
0x6a: {  	_ =	shalt  }
0x6b: {  	_ =	shalt  }
0x6c: {  	_ =	shalt  }
0x6d: {  	_ =	shalt  }
0x6e: {  	_ =	shalt  }
0x6f: {  	_ =	shalt  }
0x70: {  	_ =	shalt  }
0x71: {  	_ =	shalt  }
0x72: {  	_ =	shalt  }
0x73: {  	_ =	shalt  }
0x74: {  	_ =	shalt  }
0x75: {  	_ =	shalt  }
0x76: {  	_ =	shalt  }
0x77: {  	_ =	shalt  }
0x78: {  	_ =	shalt  }
0x79: {  	_ =	shalt  }
0x7a: {  	_ =	shalt  }
0x7b: {  	_ =	shalt  }
0x7c: {  	_ =	shalt  }
0x7d: {  	_ =	shalt  }
0x7e: {  	_ =	shalt  }
0x7f: {  	_ =	shalt  }
0x80: {  	_ =	shalt  }
0x81: {  	_ =	shalt  }
0x82: {  	_ =	shalt  }
0x83: {  	_ =	shalt  }
0x84: {  	_ =	shalt  }
0x85: {  	_ =	shalt  }
0x86: {  	_ =	shalt  }
0x87: {  	_ =	shalt  }
.Lfunc_end0:
.L_simem_size_0:
called_computation.1_lowered:
.L_overlay_start_0:
0x88: {  	s2 =	sld [smem:$0x3FD9]  }
0x89: {  	s3 =	sld [smem:$0x3FFE];
	_ =	sdelay $0x1  }
0x8a: {  	s1 =	srdreg.scid  }
0x8b: {  	s0 =	sand.u32 $0x1, s1  }
0x8c: {  	s16 =	sshll.u32 s0, $0xA;
	s2 =	sadd.s32 s3, s2  }
0x8d: {  	s2 =	sadd.s32 s2, s16  }
0x8e: {  	[smem:$0x3FC1] =	sst s2  }
0x8f: {  	_ = 	snop  }
0x90: {  	(tm) =	ssettm $0x1  }
0x91: {  	s17 =	sld [smem:$0x3FFB];
	_ =	sdelay $0x3  }
0x92: {  	_ =	strace s17  }
0x93: {  	s2 =	sld [smem:$0x3FFC];
	_ =	sdelay $0x3  }
0x94: {  	_ =	strace s2  }
0x95: {  	s2 =	sld [smem:$0x3FFD];
	_ =	sdelay $0x3  }
0x96: {  	_ =	strace s2  }
0x97: {  	_ =	strace $0x8FFFFFFF  }
0x98: {  	s18 =	sld [smem:$0x3FDB];
	_ =	sdelay $0x1  }
0x99: {  	s19 =	simm.s32 $_scs_section_size  }
0x9a: {  	s4 =	simm.s32 $_size__tile_overlayer_lowered;
	s5 =	simm.s32 $_tile_overlayer_lowered  }
0x9b: {  	s22 =	simm.s32 $0x1BFF;
	s21 =	sshll.u32 s5, $0x1;
	s2 =	sadd.s32 s19, s18  }
0x9c: {  	s6 =	simm.s32 $0x0;
	s20 =	sshll.u32 s4, $0x1;
	s4 =	sadd.s32 s21, s2  }
0x9d: {  	[timem:s6], [sflag:s22] =	dma.local [hbm:s4], s20  }
0x9e: {  	_ =	swait.ge [sflag:s22], s20  }
0x9f: {  	s3 =	ssub.s32 $0x0, s20;
	[sflag:s22] =	ssyncset.done $0x0  }
0xa0: {  	[sflag:s22] =	ssyncadd.s32 s3;
	_ =	sdelay $0x1  }
0xa1: {  	s23 =	simm.s32 $0x1B8B  }
0xa2: {  	_ =	swait.ge [sflag:s23], $0x1  }
0xa3: {  	[sflag:s23] =	ssyncset.done $0x0  }
0xa4: {  	s25 =	simm.s32 $0x1B8E;
	s24 =	sld [smem:$0x3FFE];
	[sflag:s23] =	ssyncadd.s32 $0xFFFFFFFF  }
0xa5: {  	s26 =	simm.s32 $execute0_lowered;
	[smem:$0x3FD2] =	sst s25  }
0xa6: {  	s4 =	sshll.u32 s26, $0x1;
	_ =	strace $0x80000049;
	[dreg:$0x1] =	wrdreg $0xFFFFFFFF  }
0xa7: {  	s28 =	simm.s32 $_size_execute0_lowered;
	s2 =	sadd.s32 s2, s4;
	[dreg:$0x0] =	wrdreg $0x0  }
0xa8: {  	s4 =	sshll.u32 s28, $0x1;
	[dreg:$0x2] =	wrdreg s2  }
0xa9: {  	[dreg:$0x3] =	wrdreg s4  }
0xaa: {  	[dreg:$0x4] =	wrdreg $0xC0  }
0xab: {  	_ =	task [dreg:s6], $0x5FFFF  }
0xac: {  	[dreg:$0x1] =	wrdreg $0xFFFFFFFF  }
0xad: {  	[dreg:$0x0] =	wrdreg $0x60  }
0xae: {  	[dreg:$0x2] =	wrdreg s24  }
0xaf: {  	[dreg:$0x3] =	wrdreg $0xC6200  }
0xb0: {  	[dreg:$0x4] =	wrdreg $0x9  }
0xb1: {  	_ =	task.clear_ibuf [dreg:s6], $0x5FFFF;
	_ =	strace $0x90000049  }
0xb2: {  	s29 =	simm.s32 $0x9;
	_ =	strace $0x8000004B  }
0xb3: {  	_ =	swait.ge [sflag:s29], $0x1  }
0xb4: {  	[sflag:s29] =	ssyncadd.s32 $0xFFFFFFFF  }
0xb5: {  	_ =	strace $0x9000004B  }
0xb6: {  	_ =	sfence  }
0xb7: {  	s30 =	sld [smem:$0x0];
	_ =	sdelay $0x2  }
0xb8: {  	s31 =	sshll.u32 s1, $0xD;
	s1 =	sshrl.u32 s1, $0x2  }
0xb9: {  	s3 =	sand.u32 $0x4000, s31;
	s1 =	sadd.s32 s1, s30  }
0xba: {  	s0 =	sor.u32 s3, s0;
	s1 =	sshll.u32 s1, $0x11  }
0xbb: {  	s0 =	sor.u32 s1, s0  }
0xbc: {  	s0 =	sadd.s32 $0x8F2B, s0  }
0xbd: {  	[sflag:s0] =	ssyncadd.remote.s32 $0x1  }
0xbe: {  	_ =	sfence.sel $0xFFFF  }
0xbf: {  	[dreg:$0x0] =	wrdreg $0xFFFFFFFF;
	(pc) =	sbr.abs _section_cstart, $3  }
0xc0: {  	[dreg:$0x1] =	wrdreg $0xFFFFFFFF  }
0xc1: {  	_ =	task.clear_ibuf [dreg:s6], $0x2FFFF;
	_ =	strace $0x9FFFFFFF  }
0xc2: {  	(tm) =	ssettm $0x7FFFFFFF  }
0xc3: {  	_ =	shalt  }
tec
execute0_lowered:
.L_overlay_start_1:
0x0: {  	(tag) =	ssettag $0x1  }
0x1: {  	s0 =	srdreg.scid;
	s6 =	rddreg [dreg:$0x0]  }
0x2: {  	s14 =	stileid.u32;
	s2 =	rddreg [dreg:$0x1];
	s3 =	simm.s32 $0x0  }
0x3: {  	s16 =	simm.s32 $0x7;
	s17 =	simm.s32 $0x2710;
	s18 =	simm.s32 $0x1  }
0x4: {  	s19 =	simm.s32 $0x50;
	s20 =	simm.s32 $0x4E20;
	s21 =	simm.s32 $0x7620  }
0x5: {  	s23 =	simm.s32 $0x9E20;
	s24 =	simm.s32 $0x2;
	s29 =	simm.s32 $0x3  }
0x6: {  	s31 =	simm.s32 $0x5;
	s25 =	simm.s32 $0x4DD0;
	s28 =	simm.s32 $0x0  }
0x7: {  	s0 =	sand.u32 $0x1, s0;
	s7 =	smul.u32 $0x13880, s14;
	[smem:$0x7FF] =	sst s3  }
0x8: {  	s4 =	sadd.s32 $0x16000, s6;
	s11 =	smul.u32 $0x4E200, s14;
	s1 =	sshll.u32 s0, $0x4  }
0x9: {  	s5 =	smul.u32 $0x138800, s0;
	_ =	strace $0x8000004A;
	s8 =	ssub.s32 $0x2, s0  }
0xa: {  	p0 =	seq.s32 s0, $0x1;
	s1 =	sor.u32 s14, s1;
	s10 =	sshrl.u32 s8, $0x1  }
0xb: {  	s26 =	sshrl.u32 s7, $0x3;
	s30 =	sshrl.u32 s11, $0x2;
	s1 =	smul.u32 $0x4E2, s1  }
0xc: {  	s5 =	sadd.s32 s7, s5;
	s13 =	ssub.s32 s8, s10;
	s0 =	sadd.s32 s30, s2  }
0xd: {  	s9 =	sshrl.u32 s5, $0x3;
	s5 =	sadd.s32 $0x3D200, s6;
	s11 =	smax.u32 s13, $0x1  }
0xe: {  	s13 =	sshrl.u32 @p0 s0, $0x3;
	s0 =	simm.s32 $0x6;
	s1 =	sadd.s32 s1, s6  }
0xf: {  	s12 =	sadd.s32 s9, s6;
	s6 =	sadd.s32 s7, s2;
	s7 =	sadd.s32 s4, s26  }
0x10: {  	s26 =	simm.s32 $0x4;
	s8 =	sadd.s32 $0x2400, s1;
	s9 =	sadd.s32 $0xC200, s1  }
0x11: {  	s10 =	sadd.s32 $0x3FA00, s12;
	s1 =	sshll.u32 @p0 s14, $0x6;
	s14 =	sshll.u32 @!p0 s14, $0x6  }
0x12: {  	s15 =	sshrl.u32 @!p0 s6, $0x3;
	s12 =	sor.u32 @p0 $0x1C01, s1;
	s14 =	sor.u32 @!p0 $0x1C01, s14  }
.LBB2_1:
0x13: {  	[spmem:s13], [sflag:s12] =	dma.local @p0 [hbm:s5], $0x2710  }
0x14: {  	[spmem:s15], [sflag:s14] =	dma.local @!p0 [hbm:s7], $0x2710  }
0x15: {  	[tilespmem:s3], [sflag:$0x7] =	stream.linear.gather [hbm4b:s8+s3], $0x2710, $0x38;
	[tilespmem:$0x1FEA0] =	vst v63  }
0x16: {  	_ =	swait.ge [sflag:s16], $0x2710  }
0x17: {  	[sflag:s16] =	ssyncset.done $0x0  }
0x18: {  	[sflag:s16] =	ssyncadd.s32 $0xFFFFD8F0  }
0x19: {  	[tilespmem:s17], [sflag:$0x7] =	stream.linear.gather [hbm4b:s9+s3], $0x2710, $0x38;
	[tilespmem:$0x1FEA0] =	vst v63  }
0x1a: {  	_ =	swait.ge [sflag:s16], $0x2710  }
0x1b: {  	[sflag:s16] =	ssyncset.done $0x0  }
0x1c: {  	[sflag:s16] =	ssyncadd.s32 $0xFFFFD8F0  }
0x1d: {  	_ =	swait.ge [sflag:s18], $0x2710  }
0x1e: {  	[sflag:s18] =	ssyncset.done $0x0  }
0x1f: {  	[sflag:s18] =	ssyncadd.s32 $0xFFFFD8F0  }
0x20: {  	[bflag:$0x0] =	sbarrier.arrive $0xFFFF  }
0x21: {  	[tilespmem:s20], [sflag:$0x1] =	stream.indirect.gather [hbm4b:s4+s19], $0x80, s3, s19, $0xb8;
	[tilespmem:$0x1FEA0] =	vst v63  }
0x22: {  	_ = 	snop  }
0x23: {  	[tilespmem:s21], [sflag:$0x2] =	stream.indirect.gather [hbm4b:s4+s19], $0x80, s19, s19, $0xb8;
	[tilespmem:$0x1FEA0] =	vst v63  }
0x24: {  	_ =	swait.ge [sflag:s18], $0x2800  }
0x25: {  	[sflag:s18] =	ssyncset.done $0x0  }
0x26: {  	[sflag:s18] =	ssyncadd.s32 $0xFFFFD800  }
0x27: {  	[spmem:s2] =	stream.indirect.scatter.add.f32 [tilespmem:s20], [sflag:$0x4], $0x80, s17, s19, $0xb8;
	[tilespmem:$0x1FEA0] =	vst v63  }
0x28: {  	s1 =	simm.s32 $0xA0  }
0x29: {  	[tilespmem:s23], [sflag:$0x3] =	stream.indirect.gather [hbm4b:s4+s19], $0x80, s1, s19, $0xb8;
	[tilespmem:$0x1FEA0] =	vst v63  }
0x2a: {  	_ =	swait.ge [sflag:s24], $0x2800  }
0x2b: {  	[sflag:s24] =	ssyncset.done $0x0  }
0x2c: {  	s22 =	simm.s32 $0x2760;
	[sflag:s24] =	ssyncadd.s32 $0xFFFFD800  }
0x2d: {  	[spmem:s2] =	stream.indirect.scatter.add.f32 [tilespmem:s21], [sflag:$0x5], $0x80, s22, s19, $0xb8;
	[tilespmem:$0x1FEA0] =	vst v63  }
0x2e: {  	_ =	swait.ge [sflag:s26], $0x2800  }
0x2f: {  	[sflag:s26] =	ssyncset.done $0x0  }
0x30: {  	s22 =	simm.s32 $0xF0;
	[sflag:s26] =	ssyncadd.s32 $0xFFFFD800  }
0x31: {  	[tilespmem:s20], [sflag:$0x1] =	stream.indirect.gather [hbm4b:s4+s19], $0x80, s22, s19, $0xb8;
	[tilespmem:$0x1FEA0] =	vst v63  }
0x32: {  	_ =	swait.ge [sflag:s29], $0x2800  }
0x33: {  	[sflag:s29] =	ssyncset.done $0x0  }
0x34: {  	s22 =	simm.s32 $0x27B0;
	[sflag:s29] =	ssyncadd.s32 $0xFFFFD800  }
0x35: {  	[spmem:s2] =	stream.indirect.scatter.add.f32 [tilespmem:s23], [sflag:$0x6], $0x80, s22, s19, $0xb8;
	[tilespmem:$0x1FEA0] =	vst v63  }
0x36: {  	_ =	swait.ge [sflag:s31], $0x2800  }
0x37: {  	[sflag:s31] =	ssyncset.done $0x0  }
0x38: {  	s22 =	simm.s32 $0x140;
	[sflag:s31] =	ssyncadd.s32 $0xFFFFD800  }
0x39: {  	[tilespmem:s21], [sflag:$0x2] =	stream.indirect.gather [hbm4b:s4+s19], $0x80, s22, s19, $0xb8;
	[tilespmem:$0x1FEA0] =	vst v63  }
0x3a: {  	_ =	swait.ge [sflag:s18], $0x2800  }
0x3b: {  	[sflag:s18] =	ssyncset.done $0x0  }
0x3c: {  	s22 =	simm.s32 $0x2800;
	[sflag:s18] =	ssyncadd.s32 $0xFFFFD800  }
0x3d: {  	[spmem:s2] =	stream.indirect.scatter.add.f32 [tilespmem:s20], [sflag:$0x4], $0x80, s22, s19, $0xb8;
	[tilespmem:$0x1FEA0] =	vst v63  }
0x3e: {  	_ =	swait.ge [sflag:s0], $0x2800  }
0x3f: {  	[sflag:s0] =	ssyncset.done $0x0  }
0x40: {  	s22 =	simm.s32 $0x190;
	[sflag:s0] =	ssyncadd.s32 $0xFFFFD800  }
0x41: {  	[tilespmem:s23], [sflag:$0x3] =	stream.indirect.gather [hbm4b:s4+s19], $0x80, s22, s19, $0xb8;
	[tilespmem:$0x1FEA0] =	vst v63  }
0x42: {  	_ =	swait.ge [sflag:s24], $0x2800  }
0x43: {  	[sflag:s24] =	ssyncset.done $0x0  }
0x44: {  	s22 =	simm.s32 $0x2850;
	[sflag:s24] =	ssyncadd.s32 $0xFFFFD800  }
0x45: {  	[spmem:s2] =	stream.indirect.scatter.add.f32 [tilespmem:s21], [sflag:$0x5], $0x80, s22, s19, $0xb8;
	[tilespmem:$0x1FEA0] =	vst v63  }
0x46: {  	_ =	swait.ge [sflag:s26], $0x2800  }
0x47: {  	[sflag:s26] =	ssyncset.done $0x0  }
0x48: {  	s22 =	simm.s32 $0x1E0;
	[sflag:s26] =	ssyncadd.s32 $0xFFFFD800  }
0x49: {  	[tilespmem:s20], [sflag:$0x1] =	stream.indirect.gather [hbm4b:s4+s19], $0x80, s22, s19, $0xb8;
	[tilespmem:$0x1FEA0] =	vst v63  }
0x4a: {  	_ =	swait.ge [sflag:s29], $0x2800  }
0x4b: {  	[sflag:s29] =	ssyncset.done $0x0  }
0x4c: {  	s22 =	simm.s32 $0x28A0;
	[sflag:s29] =	ssyncadd.s32 $0xFFFFD800  }
0x4d: {  	[spmem:s2] =	stream.indirect.scatter.add.f32 [tilespmem:s23], [sflag:$0x6], $0x80, s22, s19, $0xb8;
	[tilespmem:$0x1FEA0] =	vst v63  }
0x4e: {  	_ =	swait.ge [sflag:s31], $0x2800  }
0x4f: {  	[sflag:s31] =	ssyncset.done $0x0  }
0x50: {  	s30 =	simm.s32 $0x3C0;
	s1 =	simm.s32 $0x230;
	[sflag:s31] =	ssyncadd.s32 $0xFFFFD800  }
.LBB2_2:
0x51: {  	[tilespmem:s21], [sflag:$0x2] =	stream.indirect.gather [hbm4b:s4+s19], $0x80, s1, s19, $0xb8;
	[tilespmem:$0x1FEA0] =	vst v63  }
0x52: {  	s1 =	smov.u32 s30  }
0x53: {  	p1 =	sne.s32 s30, $0x9240;
	s30 =	sadd.s32 $0x3C0, s30;
	_ =	swait.ge [sflag:s18], $0x2800  }
0x54: {  	s1 =	sshra.s32 s1, $0x2;
	[sflag:s18] =	ssyncset.done $0x0  }
0x55: {  	s22 =	sadd.s32 $0x2800, s1;
	[sflag:s18] =	ssyncadd.s32 $0xFFFFD800  }
0x56: {  	[spmem:s2] =	stream.indirect.scatter.add.f32 [tilespmem:s20], [sflag:$0x4], $0x80, s22, s19, $0xb8;
	[tilespmem:$0x1FEA0] =	vst v63  }
0x57: {  	_ =	swait.ge [sflag:s0], $0x2800  }
0x58: {  	[sflag:s0] =	ssyncset.done $0x0  }
0x59: {  	s22 =	sadd.s32 $0x190, s1;
	[sflag:s0] =	ssyncadd.s32 $0xFFFFD800  }
0x5a: {  	[tilespmem:s23], [sflag:$0x3] =	stream.indirect.gather [hbm4b:s4+s19], $0x80, s22, s19, $0xb8;
	[tilespmem:$0x1FEA0] =	vst v63  }
0x5b: {  	_ =	swait.ge [sflag:s24], $0x2800  }
0x5c: {  	[sflag:s24] =	ssyncset.done $0x0  }
0x5d: {  	s22 =	sadd.s32 $0x2850, s1;
	[sflag:s24] =	ssyncadd.s32 $0xFFFFD800  }
0x5e: {  	[spmem:s2] =	stream.indirect.scatter.add.f32 [tilespmem:s21], [sflag:$0x5], $0x80, s22, s19, $0xb8;
	[tilespmem:$0x1FEA0] =	vst v63  }
0x5f: {  	_ =	swait.ge [sflag:s26], $0x2800  }
0x60: {  	[sflag:s26] =	ssyncset.done $0x0  }
0x61: {  	s22 =	sadd.s32 $0x1E0, s1;
	[sflag:s26] =	ssyncadd.s32 $0xFFFFD800  }
0x62: {  	[tilespmem:s20], [sflag:$0x1] =	stream.indirect.gather [hbm4b:s4+s19], $0x80, s22, s19, $0xb8;
	[tilespmem:$0x1FEA0] =	vst v63  }
0x63: {  	_ =	swait.ge [sflag:s29], $0x2800  }
0x64: {  	[sflag:s29] =	ssyncset.done $0x0  }
.Ltmp0:
0x65: {  	s22 =	sadd.s32 $0x28A0, s1;
	[sflag:s29] =	ssyncadd.s32 $0xFFFFD800;
	(pc) =	sbr.rel @p1 .LBB2_2-.Ltmp0, $4  }
0x66: {  	[spmem:s2] =	stream.indirect.scatter.add.f32 [tilespmem:s23], [sflag:$0x6], $0x80, s22, s19, $0xb8;
	[tilespmem:$0x1FEA0] =	vst v63  }
0x67: {  	_ =	swait.ge [sflag:s31], $0x2800  }
0x68: {  	[sflag:s31] =	ssyncset.done $0x0  }
0x69: {  	s1 =	sadd.s32 $0x230, s1;
	[sflag:s31] =	ssyncadd.s32 $0xFFFFD800  }
0x6a: {  	[tilespmem:s21], [sflag:$0x2] =	stream.indirect.gather [hbm4b:s4+s19], $0x80, s1, s19, $0xb8;
	[tilespmem:$0x1FEA0] =	vst v63  }
0x6b: {  	_ =	swait.ge [sflag:s18], $0x2800  }
0x6c: {  	[sflag:s18] =	ssyncset.done $0x0  }
0x6d: {  	[sflag:s18] =	ssyncadd.s32 $0xFFFFD800  }
0x6e: {  	_ =	swait.ge [sflag:s0], $0x2800  }
0x6f: {  	[sflag:s0] =	ssyncset.done $0x0  }
0x70: {  	s22 =	simm.s32 $0x4D80;
	[sflag:s0] =	ssyncadd.s32 $0xFFFFD800  }
0x71: {  	[spmem:s2] =	stream.indirect.scatter.add.f32 [tilespmem:s20], [sflag:$0x4], $0x80, s22, s19, $0xb8;
	[tilespmem:$0x1FEA0] =	vst v63  }
0x72: {  	_ =	swait.ge [sflag:s24], $0x2800  }
0x73: {  	[sflag:s24] =	ssyncset.done $0x0  }
0x74: {  	[sflag:s24] =	ssyncadd.s32 $0xFFFFD800  }
0x75: {  	_ =	swait.ge [sflag:s26], $0x2800  }
0x76: {  	[sflag:s26] =	ssyncset.done $0x0  }
0x77: {  	[sflag:s26] =	ssyncadd.s32 $0xFFFFD800  }
0x78: {  	[spmem:s2] =	stream.indirect.scatter.add.f32 [tilespmem:s21], [sflag:$0x5], $0x80, s25, s19, $0xb8;
	[tilespmem:$0x1FEA0] =	vst v63  }
0x79: {  	s30 =	stileid.u32;
	_ =	swait.ge [sflag:s31], $0x2800  }
0x7a: {  	s28 =	sadd.s32 $0x1, s28;
	s1 =	sshll.u32 s30, $0x6;
	[sflag:s31] =	ssyncset.done $0x0  }
0x7b: {  	p1 =	sne.s32 s28, s11;
	s1 =	sor.u32 $0x1C07, s1;
	[sflag:s31] =	ssyncadd.s32 $0xFFFFD800  }
.Ltmp1:
0x7c: {  	s22 =	sshrl.u32 s6, $0x3;
	[bflag:$0x0] =	sbarrier.arrive $0xFFFF;
	(pc) =	sbr.rel @p1 .LBB2_1-.Ltmp1, $4  }
0x7d: {  	[hbm:s10], [sflag:s1] =	dma.local [spmem:s22], $0x2710  }
0x7e: {  	_ =	swait.ge [sflag:s16], $0x2710  }
0x7f: {  	[sflag:s16] =	ssyncset.done $0x0  }
0x80: {  	[sflag:s16] =	ssyncadd.s32 $0xFFFFD8F0  }
0x81: {  	_ =	sfence.sel $0x180000  }
0x82: {  	[bflag:$0x0] =	sbarrier.arrive $0xFFFF  }
0x83: {  	_ =	strace $0x9000004A  }
0x84: {  	s0 =	stileid.u32;
	[bflag:$0x2] =	sbarrier.arrive $0xFFFF  }
0x85: {  	p0 =	sne.s32 s0, $0x0;
	s0 =	rddreg [dreg:$0x2]  }
0x86: {  	s0 =	sadd.s32 @!p0 $0x100000, s0  }
0x87: {  	[sflag:s0] =	ssyncadd.tile.s32 @!p0 $0x1;
	_ =	shalt  }
.Lfunc_end2:
_tile_overlayer_lowered:
.L_overlay_start_2:
0x88: {  	(tag) =	ssettag $0x2  }
0x89: {  	s0 =	rddreg [dreg:$0x0];
	s2 =	stileid.u32  }
0x8a: {  	s1 =	rddreg [dreg:$0x1];
	p0 =	sne.s32 s2, $0x0  }
0x8b: {  	s3 =	rddreg [dreg:$0x2];
	[bflag:$0x3] =	sbarrier.arrive $0xFFFF;
	s2 =	simm.s32 @!p0 $0x1C07  }
0x8c: {  	[timem:s3], [sflag:s2] =	dma.local @!p0 [hbm:s0], s1  }
0x8d: {  	s0 =	simm.s32 @!p0 $0x7  }
0x8e: {  	_ =	swait.ge @!p0 [sflag:s0], s1  }
0x8f: {  	s1 =	ssub.s32 @!p0 $0x0, s1;
	[sflag:s0] =	ssyncset.done @!p0 $0x0  }
0x90: {  	[sflag:s0] =	ssyncadd.s32 @!p0 s1  }
0x91: {  	[bflag:$0x3] =	sbarrier.arrive $0xFFFF  }
0x92: {  	_ =	shalt  }

// kernel: kernel.14.cloned.1.call-start
scs
__scs_entry_jumppad:
0x0: {  	(pc) =	sbr.rel $0x88, $3  }
0x1: {  	(tag) =	ssettag $0x0;
	lr =	simm.s32 $0x1  }
0x2: {  	[smem:$0x3F9A] =	sst lr;
	_ =	strace $0xD0000000  }
0x3: {  	_ = 	snop  }
0x4: {  	_ = 	snop  }
0x5: {  	_ = 	snop  }
0x6: {  	_ = 	snop  }
0x7: {  	_ = 	snop  }
__scs_overlays_trampoline_lowered:
0x8: {  	[smem:$0x3FA9] =	sst s0  }
0x9: {  	[smem:$0x3FAA] =	sst s1  }
0xa: {  	[smem:$0x3FAB] =	sst s2  }
0xb: {  	[smem:$0x3FAC] =	sst s3  }
0xc: {  	[smem:$0x3FAD] =	sst s4  }
0xd: {  	[smem:$0x3FAE] =	sst s5  }
0xe: {  	[smem:$0x3FAF] =	sst s6  }
0xf: {  	[smem:$0x3FB0] =	sst s7  }
0x10: {  	[smem:$0x3FB1] =	sst s8  }
0x11: {  	[smem:$0x3FB2] =	sst s9;
	s0 =	simm.s32 @!p0 $0x0  }
0x12: {  	s1 =	sld [smem:$0x3F98];
	s0 =	simm.s32 @p0 $0x1  }
0x13: {  	[smem:$0x3FB3] =	sst s0;
	s0 =	simm.s32 @!p1 $0x0  }
0x14: {  	s2 =	sld [smem:$0x3F97];
	s0 =	simm.s32 @p1 $0x1  }
0x15: {  	[smem:$0x3FB4] =	sst s0;
	s0 =	simm.s32 @!p2 $0x0  }
0x16: {  	s3 =	sld [smem:$0x3FDB];
	s0 =	simm.s32 @p2 $0x1  }
0x17: {  	s4 =	simm.s32 $0x1BF5;
	[smem:$0x3FB6] =	sst s0  }
0x18: {  	s0 =	sld [smem:$0x3F99];
	_ =	swait.ge [sflag:s4], $0x0  }
0x19: {  	s7 =	sld [smem:$0x3F9A]  }
0x1a: {  	s8 =	sadd.s32 $0xFFFFE003, lr  }
0x1b: {  	s9 =	sadd.s32 $0xFFFFFEF7, lr;
	s5 =	simm.s32 $0xFFFFFFFF;
	p2 =	slt.u32 s8, $0xFFFFF086  }
0x1c: {  	p1 =	slt.u32 s9, $0xF7A;
	s5 =	simm.s32 @!p2 $0x0  }
0x1d: {  	s5 =	simm.s32 @p1 $0x1;
	p0 =	seq.s32 s7, s2  }
0x1e: {  	s7 =	smul.u32 @!p0 $0xF7A, s2;
	p2 =	seq.s32 @!p0 s5, $0x0  }
0x1f: {  	s9 =	smul.u32 $0xF7A, s1;
	s8 =	simm.s32 @!p0 $0x1BF5;
	p2 =	por !p2, p0  }
0x20: {  	[sflag:s8] =	ssyncset.s32 @!p0 $0xFFFFF086;
	s6 =	sadd.s32 @!p0 s3, s7;
	s7 =	simm.s32 @!p0 $0x108  }
0x21: {  	s3 =	sadd.s32 s3, s9;
	s6 =	sadd.s32 @!p0 $0x88, s6;
	s7 =	simm.s32 @p2 $0x1082  }
0x22: {  	[simem:s7], [sflag:s8] =	dma.local @!p0 [hbm:s6], $0xF7A  }
0x23: {  	s9 =	sor.u32 $0xD0000000, s2;
	s6 =	simm.s32 $0x108;
	_ =	swait.ge @!p0 [sflag:s8], $0x0  }
0x24: {  	s3 =	sadd.s32 $0x88, s3;
	s6 =	simm.s32 @!p1 $0x1082;
	[sflag:s4] =	ssyncset.s32 $0xFFFFF086  }
0x25: {  	[simem:s6], [sflag:s4] =	dma.local [hbm:s3], $0xF7A  }
0x26: {  	[smem:$0x3F9A] =	sst s1;
	(tag) =	ssettag s2;
	_ =	strace s9  }
0x27: {  	s1 =	sld [smem:$0x3FAA]  }
0x28: {  	s2 =	sld [smem:$0x3FAB]  }
0x29: {  	s4 =	sld [smem:$0x3FAD]  }
0x2a: {  	p0 =	seq.s32 s5, $0x0;
	s5 =	sld [smem:$0x3FAE]  }
0x2b: {  	s6 =	sld [smem:$0x3FAF]  }
0x2c: {  	s7 =	sld [smem:$0x3FB0]  }
0x2d: {  	s3 =	simm.s32 $0x108;
	s8 =	sld [smem:$0x3FB1]  }
0x2e: {  	s3 =	simm.s32 @!p0 $0x1082;
	s9 =	sld [smem:$0x3FB2]  }
0x2f: {  	lr =	sadd.s32 s0, s3;
	s0 =	sld [smem:$0x3FA9]  }
0x30: {  	s3 =	sld [smem:$0x3FAC]  }
0x31: {  	[smem:$0x3FB5] =	sst s10  }
0x32: {  	s10 =	sld [smem:$0x3FB3];
	_ =	sdelay $0x3  }
0x33: {  	p0 =	seq.s32 s10, $0x1;
	s10 =	sld [smem:$0x3FB5];
	_ =	sdelay $0x3  }
0x34: {  	[smem:$0x3FB5] =	sst s10  }
0x35: {  	s10 =	sld [smem:$0x3FB4];
	_ =	sdelay $0x3  }
0x36: {  	p1 =	seq.s32 s10, $0x1;
	s10 =	sld [smem:$0x3FB5];
	_ =	sdelay $0x3  }
0x37: {  	[smem:$0x3FB5] =	sst s10  }
0x38: {  	s10 =	sld [smem:$0x3FB6]  }
0x39: {  	_ = 	snop;
	(pc) =	sbr.ind lr, $3  }
0x3a: {  	_ = 	snop  }
0x3b: {  	_ = 	snop  }
0x3c: {  	p2 =	seq.s32 s10, $0x1;
	s10 =	sld [smem:$0x3FB5]  }
0x3d: {  	_ =	shalt  }
0x3e: {  	_ =	shalt  }
0x3f: {  	_ =	shalt  }
0x40: {  	_ =	shalt  }
0x41: {  	_ =	shalt  }
0x42: {  	_ =	shalt  }
0x43: {  	_ =	shalt  }
0x44: {  	_ =	shalt  }
0x45: {  	_ =	shalt  }
0x46: {  	_ =	shalt  }
0x47: {  	_ =	shalt  }
0x48: {  	_ =	shalt  }
0x49: {  	_ =	shalt  }
0x4a: {  	_ =	shalt  }
0x4b: {  	_ =	shalt  }
0x4c: {  	_ =	shalt  }
0x4d: {  	_ =	shalt  }
0x4e: {  	_ =	shalt  }
0x4f: {  	_ =	shalt  }
0x50: {  	_ =	shalt  }
0x51: {  	_ =	shalt  }
0x52: {  	_ =	shalt  }
0x53: {  	_ =	shalt  }
0x54: {  	_ =	shalt  }
0x55: {  	_ =	shalt  }
0x56: {  	_ =	shalt  }
0x57: {  	_ =	shalt  }
0x58: {  	_ =	shalt  }
0x59: {  	_ =	shalt  }
0x5a: {  	_ =	shalt  }
0x5b: {  	_ =	shalt  }
0x5c: {  	_ =	shalt  }
0x5d: {  	_ =	shalt  }
0x5e: {  	_ =	shalt  }
0x5f: {  	_ =	shalt  }
0x60: {  	_ =	shalt  }
0x61: {  	_ =	shalt  }
0x62: {  	_ =	shalt  }
0x63: {  	_ =	shalt  }
0x64: {  	_ =	shalt  }
0x65: {  	_ =	shalt  }
0x66: {  	_ =	shalt  }
0x67: {  	_ =	shalt  }
0x68: {  	_ =	shalt  }
0x69: {  	_ =	shalt  }
0x6a: {  	_ =	shalt  }
0x6b: {  	_ =	shalt  }
0x6c: {  	_ =	shalt  }
0x6d: {  	_ =	shalt  }
0x6e: {  	_ =	shalt  }
0x6f: {  	_ =	shalt  }
0x70: {  	_ =	shalt  }
0x71: {  	_ =	shalt  }
0x72: {  	_ =	shalt  }
0x73: {  	_ =	shalt  }
0x74: {  	_ =	shalt  }
0x75: {  	_ =	shalt  }
0x76: {  	_ =	shalt  }
0x77: {  	_ =	shalt  }
0x78: {  	_ =	shalt  }
0x79: {  	_ =	shalt  }
0x7a: {  	_ =	shalt  }
0x7b: {  	_ =	shalt  }
0x7c: {  	_ =	shalt  }
0x7d: {  	_ =	shalt  }
0x7e: {  	_ =	shalt  }
0x7f: {  	_ =	shalt  }
0x80: {  	_ =	shalt  }
0x81: {  	_ =	shalt  }
0x82: {  	_ =	shalt  }
0x83: {  	_ =	shalt  }
0x84: {  	_ =	shalt  }
0x85: {  	_ =	shalt  }
0x86: {  	_ =	shalt  }
0x87: {  	_ =	shalt  }
.Lfunc_end0:
.L_simem_size_0:
called_computation.2_lowered:
.L_overlay_start_0:
0x88: {  	s2 =	sld [smem:$0x3FD9]  }
0x89: {  	s3 =	sld [smem:$0x3FFE];
	_ =	sdelay $0x1  }
0x8a: {  	s1 =	srdreg.scid  }
0x8b: {  	s0 =	sand.u32 $0x1, s1  }
0x8c: {  	s16 =	sshll.u32 s0, $0xA;
	s2 =	sadd.s32 s3, s2  }
0x8d: {  	s2 =	sadd.s32 s2, s16  }
0x8e: {  	[smem:$0x3FC1] =	sst s2  }
0x8f: {  	_ = 	snop  }
0x90: {  	(tm) =	ssettm $0x1  }
0x91: {  	s17 =	sld [smem:$0x3FFB];
	_ =	sdelay $0x3  }
0x92: {  	_ =	strace s17  }
0x93: {  	s2 =	sld [smem:$0x3FFC];
	_ =	sdelay $0x3  }
0x94: {  	_ =	strace s2  }
0x95: {  	s2 =	sld [smem:$0x3FFD];
	_ =	sdelay $0x3  }
0x96: {  	_ =	strace s2  }
0x97: {  	_ =	strace $0x8FFFFFFF  }
0x98: {  	s18 =	sld [smem:$0x3FDB];
	_ =	sdelay $0x1  }
0x99: {  	s19 =	simm.s32 $_scs_section_size  }
0x9a: {  	s4 =	simm.s32 $_size__tile_overlayer_lowered;
	s5 =	simm.s32 $_tile_overlayer_lowered  }
0x9b: {  	s22 =	simm.s32 $0x1BFF;
	s21 =	sshll.u32 s5, $0x1;
	s2 =	sadd.s32 s19, s18  }
0x9c: {  	s6 =	simm.s32 $0x0;
	s20 =	sshll.u32 s4, $0x1;
	s4 =	sadd.s32 s21, s2  }
0x9d: {  	[timem:s6], [sflag:s22] =	dma.local [hbm:s4], s20  }
0x9e: {  	_ =	swait.ge [sflag:s22], s20  }
0x9f: {  	s3 =	ssub.s32 $0x0, s20;
	[sflag:s22] =	ssyncset.done $0x0  }
0xa0: {  	[sflag:s22] =	ssyncadd.s32 s3;
	_ =	sdelay $0x1  }
0xa1: {  	s23 =	simm.s32 $0x1B8B  }
0xa2: {  	_ =	swait.ge [sflag:s23], $0x1  }
0xa3: {  	[sflag:s23] =	ssyncset.done $0x0  }
0xa4: {  	s25 =	simm.s32 $0x1B8E;
	s24 =	sld [smem:$0x3FFE];
	[sflag:s23] =	ssyncadd.s32 $0xFFFFFFFF  }
0xa5: {  	s26 =	simm.s32 $execute0_lowered;
	[smem:$0x3FD2] =	sst s25  }
0xa6: {  	s4 =	sshll.u32 s26, $0x1;
	_ =	strace $0x8000004C;
	[dreg:$0x1] =	wrdreg $0xFFFFFFFF  }
0xa7: {  	s28 =	simm.s32 $_size_execute0_lowered;
	s2 =	sadd.s32 s2, s4;
	[dreg:$0x0] =	wrdreg $0x0  }
0xa8: {  	s4 =	sshll.u32 s28, $0x1;
	[dreg:$0x2] =	wrdreg s2  }
0xa9: {  	[dreg:$0x3] =	wrdreg s4  }
0xaa: {  	[dreg:$0x4] =	wrdreg $0xC0  }
0xab: {  	_ =	task [dreg:s6], $0x5FFFF  }
0xac: {  	[dreg:$0x1] =	wrdreg $0xFFFFFFFF  }
0xad: {  	[dreg:$0x0] =	wrdreg $0x60  }
0xae: {  	[dreg:$0x2] =	wrdreg s24  }
0xaf: {  	[dreg:$0x3] =	wrdreg $0xC6200  }
0xb0: {  	[dreg:$0x4] =	wrdreg $0x9  }
0xb1: {  	_ =	task.clear_ibuf [dreg:s6], $0x5FFFF;
	_ =	strace $0x9000004C  }
0xb2: {  	s29 =	simm.s32 $0x9;
	_ =	strace $0x8000004E  }
0xb3: {  	_ =	swait.ge [sflag:s29], $0x1  }
0xb4: {  	[sflag:s29] =	ssyncadd.s32 $0xFFFFFFFF  }
0xb5: {  	_ =	strace $0x9000004E  }
0xb6: {  	_ =	sfence  }
0xb7: {  	s30 =	sld [smem:$0x0];
	_ =	sdelay $0x2  }
0xb8: {  	s31 =	sshll.u32 s1, $0xD;
	s1 =	sshrl.u32 s1, $0x2  }
0xb9: {  	s3 =	sand.u32 $0x4000, s31;
	s1 =	sadd.s32 s1, s30  }
0xba: {  	s0 =	sor.u32 s3, s0;
	s1 =	sshll.u32 s1, $0x11  }
0xbb: {  	s0 =	sor.u32 s1, s0  }
0xbc: {  	s0 =	sadd.s32 $0x8F2B, s0  }
0xbd: {  	[sflag:s0] =	ssyncadd.remote.s32 $0x1  }
0xbe: {  	_ =	sfence.sel $0xFFFF  }
0xbf: {  	[dreg:$0x0] =	wrdreg $0xFFFFFFFF;
	(pc) =	sbr.abs _section_cstart, $3  }
0xc0: {  	[dreg:$0x1] =	wrdreg $0xFFFFFFFF  }
0xc1: {  	_ =	task.clear_ibuf [dreg:s6], $0x2FFFF;
	_ =	strace $0x9FFFFFFF  }
0xc2: {  	(tm) =	ssettm $0x7FFFFFFF  }
0xc3: {  	_ =	shalt  }
tec
execute0_lowered:
.L_overlay_start_1:
0x0: {  	(tag) =	ssettag $0x1  }
0x1: {  	s0 =	srdreg.scid;
	s6 =	rddreg [dreg:$0x0]  }
0x2: {  	s14 =	stileid.u32;
	s2 =	rddreg [dreg:$0x1];
	s3 =	simm.s32 $0x0  }
0x3: {  	s16 =	simm.s32 $0x7;
	s17 =	simm.s32 $0x2710;
	s18 =	simm.s32 $0x1  }
0x4: {  	s19 =	simm.s32 $0x50;
	s20 =	simm.s32 $0x4E20;
	s21 =	simm.s32 $0x7620  }
0x5: {  	s23 =	simm.s32 $0x9E20;
	s24 =	simm.s32 $0x2;
	s29 =	simm.s32 $0x3  }
0x6: {  	s31 =	simm.s32 $0x5;
	s25 =	simm.s32 $0x4DD0;
	s28 =	simm.s32 $0x0  }
0x7: {  	s0 =	sand.u32 $0x1, s0;
	s7 =	smul.u32 $0x13880, s14;
	[smem:$0x7FF] =	sst s3  }
0x8: {  	s4 =	sadd.s32 $0x16000, s6;
	s11 =	smul.u32 $0x4E200, s14;
	s1 =	sshll.u32 s0, $0x4  }
0x9: {  	s5 =	smul.u32 $0x138800, s0;
	_ =	strace $0x8000004D;
	s8 =	ssub.s32 $0x2, s0  }
0xa: {  	p0 =	seq.s32 s0, $0x1;
	s1 =	sor.u32 s14, s1;
	s10 =	sshrl.u32 s8, $0x1  }
0xb: {  	s26 =	sshrl.u32 s7, $0x3;
	s30 =	sshrl.u32 s11, $0x2;
	s1 =	smul.u32 $0x4E2, s1  }
0xc: {  	s5 =	sadd.s32 s7, s5;
	s13 =	ssub.s32 s8, s10;
	s0 =	sadd.s32 s30, s2  }
0xd: {  	s9 =	sshrl.u32 s5, $0x3;
	s5 =	sadd.s32 $0x3D200, s6;
	s11 =	smax.u32 s13, $0x1  }
0xe: {  	s13 =	sshrl.u32 @p0 s0, $0x3;
	s0 =	simm.s32 $0x6;
	s1 =	sadd.s32 s1, s6  }
0xf: {  	s12 =	sadd.s32 s9, s6;
	s6 =	sadd.s32 s7, s2;
	s7 =	sadd.s32 s4, s26  }
0x10: {  	s26 =	simm.s32 $0x4;
	s8 =	sadd.s32 $0x2400, s1;
	s9 =	sadd.s32 $0xC200, s1  }
0x11: {  	s10 =	sadd.s32 $0x3FA00, s12;
	s1 =	sshll.u32 @p0 s14, $0x6;
	s14 =	sshll.u32 @!p0 s14, $0x6  }
0x12: {  	s15 =	sshrl.u32 @!p0 s6, $0x3;
	s12 =	sor.u32 @p0 $0x1C01, s1;
	s14 =	sor.u32 @!p0 $0x1C01, s14  }
.LBB2_1:
0x13: {  	[spmem:s13], [sflag:s12] =	dma.local @p0 [hbm:s5], $0x2710  }
0x14: {  	[spmem:s15], [sflag:s14] =	dma.local @!p0 [hbm:s7], $0x2710  }
0x15: {  	[tilespmem:s3], [sflag:$0x7] =	stream.linear.gather [hbm4b:s8+s3], $0x2710, $0x38;
	[tilespmem:$0x1FEA0] =	vst v63  }
0x16: {  	_ =	swait.ge [sflag:s16], $0x2710  }
0x17: {  	[sflag:s16] =	ssyncset.done $0x0  }
0x18: {  	[sflag:s16] =	ssyncadd.s32 $0xFFFFD8F0  }
0x19: {  	[tilespmem:s17], [sflag:$0x7] =	stream.linear.gather [hbm4b:s9+s3], $0x2710, $0x38;
	[tilespmem:$0x1FEA0] =	vst v63  }
0x1a: {  	_ =	swait.ge [sflag:s16], $0x2710  }
0x1b: {  	[sflag:s16] =	ssyncset.done $0x0  }
0x1c: {  	[sflag:s16] =	ssyncadd.s32 $0xFFFFD8F0  }
0x1d: {  	_ =	swait.ge [sflag:s18], $0x2710  }
0x1e: {  	[sflag:s18] =	ssyncset.done $0x0  }
0x1f: {  	[sflag:s18] =	ssyncadd.s32 $0xFFFFD8F0  }
0x20: {  	[bflag:$0x0] =	sbarrier.arrive $0xFFFF  }
0x21: {  	[tilespmem:s20], [sflag:$0x1] =	stream.indirect.gather [hbm4b:s4+s19], $0x80, s3, s19, $0xb8;
	[tilespmem:$0x1FEA0] =	vst v63  }
0x22: {  	_ = 	snop  }
0x23: {  	[tilespmem:s21], [sflag:$0x2] =	stream.indirect.gather [hbm4b:s4+s19], $0x80, s19, s19, $0xb8;
	[tilespmem:$0x1FEA0] =	vst v63  }
0x24: {  	_ =	swait.ge [sflag:s18], $0x2800  }
0x25: {  	[sflag:s18] =	ssyncset.done $0x0  }
0x26: {  	[sflag:s18] =	ssyncadd.s32 $0xFFFFD800  }
0x27: {  	[spmem:s2] =	stream.indirect.scatter.add.f32 [tilespmem:s20], [sflag:$0x4], $0x80, s17, s19, $0xb8;
	[tilespmem:$0x1FEA0] =	vst v63  }
0x28: {  	s1 =	simm.s32 $0xA0  }
0x29: {  	[tilespmem:s23], [sflag:$0x3] =	stream.indirect.gather [hbm4b:s4+s19], $0x80, s1, s19, $0xb8;
	[tilespmem:$0x1FEA0] =	vst v63  }
0x2a: {  	_ =	swait.ge [sflag:s24], $0x2800  }
0x2b: {  	[sflag:s24] =	ssyncset.done $0x0  }
0x2c: {  	s22 =	simm.s32 $0x2760;
	[sflag:s24] =	ssyncadd.s32 $0xFFFFD800  }
0x2d: {  	[spmem:s2] =	stream.indirect.scatter.add.f32 [tilespmem:s21], [sflag:$0x5], $0x80, s22, s19, $0xb8;
	[tilespmem:$0x1FEA0] =	vst v63  }
0x2e: {  	_ =	swait.ge [sflag:s26], $0x2800  }
0x2f: {  	[sflag:s26] =	ssyncset.done $0x0  }
0x30: {  	s22 =	simm.s32 $0xF0;
	[sflag:s26] =	ssyncadd.s32 $0xFFFFD800  }
0x31: {  	[tilespmem:s20], [sflag:$0x1] =	stream.indirect.gather [hbm4b:s4+s19], $0x80, s22, s19, $0xb8;
	[tilespmem:$0x1FEA0] =	vst v63  }
0x32: {  	_ =	swait.ge [sflag:s29], $0x2800  }
0x33: {  	[sflag:s29] =	ssyncset.done $0x0  }
0x34: {  	s22 =	simm.s32 $0x27B0;
	[sflag:s29] =	ssyncadd.s32 $0xFFFFD800  }
0x35: {  	[spmem:s2] =	stream.indirect.scatter.add.f32 [tilespmem:s23], [sflag:$0x6], $0x80, s22, s19, $0xb8;
	[tilespmem:$0x1FEA0] =	vst v63  }
0x36: {  	_ =	swait.ge [sflag:s31], $0x2800  }
0x37: {  	[sflag:s31] =	ssyncset.done $0x0  }
0x38: {  	s22 =	simm.s32 $0x140;
	[sflag:s31] =	ssyncadd.s32 $0xFFFFD800  }
0x39: {  	[tilespmem:s21], [sflag:$0x2] =	stream.indirect.gather [hbm4b:s4+s19], $0x80, s22, s19, $0xb8;
	[tilespmem:$0x1FEA0] =	vst v63  }
0x3a: {  	_ =	swait.ge [sflag:s18], $0x2800  }
0x3b: {  	[sflag:s18] =	ssyncset.done $0x0  }
0x3c: {  	s22 =	simm.s32 $0x2800;
	[sflag:s18] =	ssyncadd.s32 $0xFFFFD800  }
0x3d: {  	[spmem:s2] =	stream.indirect.scatter.add.f32 [tilespmem:s20], [sflag:$0x4], $0x80, s22, s19, $0xb8;
	[tilespmem:$0x1FEA0] =	vst v63  }
0x3e: {  	_ =	swait.ge [sflag:s0], $0x2800  }
0x3f: {  	[sflag:s0] =	ssyncset.done $0x0  }
0x40: {  	s22 =	simm.s32 $0x190;
	[sflag:s0] =	ssyncadd.s32 $0xFFFFD800  }
0x41: {  	[tilespmem:s23], [sflag:$0x3] =	stream.indirect.gather [hbm4b:s4+s19], $0x80, s22, s19, $0xb8;
	[tilespmem:$0x1FEA0] =	vst v63  }
0x42: {  	_ =	swait.ge [sflag:s24], $0x2800  }
0x43: {  	[sflag:s24] =	ssyncset.done $0x0  }
0x44: {  	s22 =	simm.s32 $0x2850;
	[sflag:s24] =	ssyncadd.s32 $0xFFFFD800  }
0x45: {  	[spmem:s2] =	stream.indirect.scatter.add.f32 [tilespmem:s21], [sflag:$0x5], $0x80, s22, s19, $0xb8;
	[tilespmem:$0x1FEA0] =	vst v63  }
0x46: {  	_ =	swait.ge [sflag:s26], $0x2800  }
0x47: {  	[sflag:s26] =	ssyncset.done $0x0  }
0x48: {  	s22 =	simm.s32 $0x1E0;
	[sflag:s26] =	ssyncadd.s32 $0xFFFFD800  }
0x49: {  	[tilespmem:s20], [sflag:$0x1] =	stream.indirect.gather [hbm4b:s4+s19], $0x80, s22, s19, $0xb8;
	[tilespmem:$0x1FEA0] =	vst v63  }
0x4a: {  	_ =	swait.ge [sflag:s29], $0x2800  }
0x4b: {  	[sflag:s29] =	ssyncset.done $0x0  }
0x4c: {  	s22 =	simm.s32 $0x28A0;
	[sflag:s29] =	ssyncadd.s32 $0xFFFFD800  }
0x4d: {  	[spmem:s2] =	stream.indirect.scatter.add.f32 [tilespmem:s23], [sflag:$0x6], $0x80, s22, s19, $0xb8;
	[tilespmem:$0x1FEA0] =	vst v63  }
0x4e: {  	_ =	swait.ge [sflag:s31], $0x2800  }
0x4f: {  	[sflag:s31] =	ssyncset.done $0x0  }
0x50: {  	s30 =	simm.s32 $0x3C0;
	s1 =	simm.s32 $0x230;
	[sflag:s31] =	ssyncadd.s32 $0xFFFFD800  }
.LBB2_2:
0x51: {  	[tilespmem:s21], [sflag:$0x2] =	stream.indirect.gather [hbm4b:s4+s19], $0x80, s1, s19, $0xb8;
	[tilespmem:$0x1FEA0] =	vst v63  }
0x52: {  	s1 =	smov.u32 s30  }
0x53: {  	p1 =	sne.s32 s30, $0x9240;
	s30 =	sadd.s32 $0x3C0, s30;
	_ =	swait.ge [sflag:s18], $0x2800  }
0x54: {  	s1 =	sshra.s32 s1, $0x2;
	[sflag:s18] =	ssyncset.done $0x0  }
0x55: {  	s22 =	sadd.s32 $0x2800, s1;
	[sflag:s18] =	ssyncadd.s32 $0xFFFFD800  }
0x56: {  	[spmem:s2] =	stream.indirect.scatter.add.f32 [tilespmem:s20], [sflag:$0x4], $0x80, s22, s19, $0xb8;
	[tilespmem:$0x1FEA0] =	vst v63  }
0x57: {  	_ =	swait.ge [sflag:s0], $0x2800  }
0x58: {  	[sflag:s0] =	ssyncset.done $0x0  }
0x59: {  	s22 =	sadd.s32 $0x190, s1;
	[sflag:s0] =	ssyncadd.s32 $0xFFFFD800  }
0x5a: {  	[tilespmem:s23], [sflag:$0x3] =	stream.indirect.gather [hbm4b:s4+s19], $0x80, s22, s19, $0xb8;
	[tilespmem:$0x1FEA0] =	vst v63  }
0x5b: {  	_ =	swait.ge [sflag:s24], $0x2800  }
0x5c: {  	[sflag:s24] =	ssyncset.done $0x0  }
0x5d: {  	s22 =	sadd.s32 $0x2850, s1;
	[sflag:s24] =	ssyncadd.s32 $0xFFFFD800  }
0x5e: {  	[spmem:s2] =	stream.indirect.scatter.add.f32 [tilespmem:s21], [sflag:$0x5], $0x80, s22, s19, $0xb8;
	[tilespmem:$0x1FEA0] =	vst v63  }
0x5f: {  	_ =	swait.ge [sflag:s26], $0x2800  }
0x60: {  	[sflag:s26] =	ssyncset.done $0x0  }
0x61: {  	s22 =	sadd.s32 $0x1E0, s1;
	[sflag:s26] =	ssyncadd.s32 $0xFFFFD800  }
0x62: {  	[tilespmem:s20], [sflag:$0x1] =	stream.indirect.gather [hbm4b:s4+s19], $0x80, s22, s19, $0xb8;
	[tilespmem:$0x1FEA0] =	vst v63  }
0x63: {  	_ =	swait.ge [sflag:s29], $0x2800  }
0x64: {  	[sflag:s29] =	ssyncset.done $0x0  }
.Ltmp0:
0x65: {  	s22 =	sadd.s32 $0x28A0, s1;
	[sflag:s29] =	ssyncadd.s32 $0xFFFFD800;
	(pc) =	sbr.rel @p1 .LBB2_2-.Ltmp0, $4  }
0x66: {  	[spmem:s2] =	stream.indirect.scatter.add.f32 [tilespmem:s23], [sflag:$0x6], $0x80, s22, s19, $0xb8;
	[tilespmem:$0x1FEA0] =	vst v63  }
0x67: {  	_ =	swait.ge [sflag:s31], $0x2800  }
0x68: {  	[sflag:s31] =	ssyncset.done $0x0  }
0x69: {  	s1 =	sadd.s32 $0x230, s1;
	[sflag:s31] =	ssyncadd.s32 $0xFFFFD800  }
0x6a: {  	[tilespmem:s21], [sflag:$0x2] =	stream.indirect.gather [hbm4b:s4+s19], $0x80, s1, s19, $0xb8;
	[tilespmem:$0x1FEA0] =	vst v63  }
0x6b: {  	_ =	swait.ge [sflag:s18], $0x2800  }
0x6c: {  	[sflag:s18] =	ssyncset.done $0x0  }
0x6d: {  	[sflag:s18] =	ssyncadd.s32 $0xFFFFD800  }
0x6e: {  	_ =	swait.ge [sflag:s0], $0x2800  }
0x6f: {  	[sflag:s0] =	ssyncset.done $0x0  }
0x70: {  	s22 =	simm.s32 $0x4D80;
	[sflag:s0] =	ssyncadd.s32 $0xFFFFD800  }
0x71: {  	[spmem:s2] =	stream.indirect.scatter.add.f32 [tilespmem:s20], [sflag:$0x4], $0x80, s22, s19, $0xb8;
	[tilespmem:$0x1FEA0] =	vst v63  }
0x72: {  	_ =	swait.ge [sflag:s24], $0x2800  }
0x73: {  	[sflag:s24] =	ssyncset.done $0x0  }
0x74: {  	[sflag:s24] =	ssyncadd.s32 $0xFFFFD800  }
0x75: {  	_ =	swait.ge [sflag:s26], $0x2800  }
0x76: {  	[sflag:s26] =	ssyncset.done $0x0  }
0x77: {  	[sflag:s26] =	ssyncadd.s32 $0xFFFFD800  }
0x78: {  	[spmem:s2] =	stream.indirect.scatter.add.f32 [tilespmem:s21], [sflag:$0x5], $0x80, s25, s19, $0xb8;
	[tilespmem:$0x1FEA0] =	vst v63  }
0x79: {  	s30 =	stileid.u32;
	_ =	swait.ge [sflag:s31], $0x2800  }
0x7a: {  	s28 =	sadd.s32 $0x1, s28;
	s1 =	sshll.u32 s30, $0x6;
	[sflag:s31] =	ssyncset.done $0x0  }
0x7b: {  	p1 =	sne.s32 s28, s11;
	s1 =	sor.u32 $0x1C07, s1;
	[sflag:s31] =	ssyncadd.s32 $0xFFFFD800  }
.Ltmp1:
0x7c: {  	s22 =	sshrl.u32 s6, $0x3;
	[bflag:$0x0] =	sbarrier.arrive $0xFFFF;
	(pc) =	sbr.rel @p1 .LBB2_1-.Ltmp1, $4  }
0x7d: {  	[hbm:s10], [sflag:s1] =	dma.local [spmem:s22], $0x2710  }
0x7e: {  	_ =	swait.ge [sflag:s16], $0x2710  }
0x7f: {  	[sflag:s16] =	ssyncset.done $0x0  }
0x80: {  	[sflag:s16] =	ssyncadd.s32 $0xFFFFD8F0  }
0x81: {  	_ =	sfence.sel $0x180000  }
0x82: {  	[bflag:$0x0] =	sbarrier.arrive $0xFFFF  }
0x83: {  	_ =	strace $0x9000004D  }
0x84: {  	s0 =	stileid.u32;
	[bflag:$0x2] =	sbarrier.arrive $0xFFFF  }
0x85: {  	p0 =	sne.s32 s0, $0x0;
	s0 =	rddreg [dreg:$0x2]  }
0x86: {  	s0 =	sadd.s32 @!p0 $0x100000, s0  }
0x87: {  	[sflag:s0] =	ssyncadd.tile.s32 @!p0 $0x1;
	_ =	shalt  }
.Lfunc_end2:
_tile_overlayer_lowered:
.L_overlay_start_2:
0x88: {  	(tag) =	ssettag $0x2  }
0x89: {  	s0 =	rddreg [dreg:$0x0];
	s2 =	stileid.u32  }
0x8a: {  	s1 =	rddreg [dreg:$0x1];
	p0 =	sne.s32 s2, $0x0  }
0x8b: {  	s3 =	rddreg [dreg:$0x2];
	[bflag:$0x3] =	sbarrier.arrive $0xFFFF;
	s2 =	simm.s32 @!p0 $0x1C07  }
0x8c: {  	[timem:s3], [sflag:s2] =	dma.local @!p0 [hbm:s0], s1  }
0x8d: {  	s0 =	simm.s32 @!p0 $0x7  }
0x8e: {  	_ =	swait.ge @!p0 [sflag:s0], s1  }
0x8f: {  	s1 =	ssub.s32 @!p0 $0x0, s1;
	[sflag:s0] =	ssyncset.done @!p0 $0x0  }
0x90: {  	[sflag:s0] =	ssyncadd.s32 @!p0 s1  }
0x91: {  	[bflag:$0x3] =	sbarrier.arrive $0xFFFF  }
0x92: {  	_ =	shalt  }

// kernel: kernel.8.cloned.1.call-start
scs
__scs_entry_jumppad:
0x0: {  	(pc) =	sbr.rel $0x88, $3  }
0x1: {  	(tag) =	ssettag $0x0;
	lr =	simm.s32 $0x1  }
0x2: {  	[smem:$0x3F9A] =	sst lr;
	_ =	strace $0xD0000000  }
0x3: {  	_ = 	snop  }
0x4: {  	_ = 	snop  }
0x5: {  	_ = 	snop  }
0x6: {  	_ = 	snop  }
0x7: {  	_ = 	snop  }
__scs_overlays_trampoline_lowered:
0x8: {  	[smem:$0x3FA9] =	sst s0  }
0x9: {  	[smem:$0x3FAA] =	sst s1  }
0xa: {  	[smem:$0x3FAB] =	sst s2  }
0xb: {  	[smem:$0x3FAC] =	sst s3  }
0xc: {  	[smem:$0x3FAD] =	sst s4  }
0xd: {  	[smem:$0x3FAE] =	sst s5  }
0xe: {  	[smem:$0x3FAF] =	sst s6  }
0xf: {  	[smem:$0x3FB0] =	sst s7  }
0x10: {  	[smem:$0x3FB1] =	sst s8  }
0x11: {  	[smem:$0x3FB2] =	sst s9;
	s0 =	simm.s32 @!p0 $0x0  }
0x12: {  	s1 =	sld [smem:$0x3F98];
	s0 =	simm.s32 @p0 $0x1  }
0x13: {  	[smem:$0x3FB3] =	sst s0;
	s0 =	simm.s32 @!p1 $0x0  }
0x14: {  	s2 =	sld [smem:$0x3F97];
	s0 =	simm.s32 @p1 $0x1  }
0x15: {  	[smem:$0x3FB4] =	sst s0;
	s0 =	simm.s32 @!p2 $0x0  }
0x16: {  	s3 =	sld [smem:$0x3FDB];
	s0 =	simm.s32 @p2 $0x1  }
0x17: {  	s4 =	simm.s32 $0x1BF5;
	[smem:$0x3FB6] =	sst s0  }
0x18: {  	s0 =	sld [smem:$0x3F99];
	_ =	swait.ge [sflag:s4], $0x0  }
0x19: {  	s7 =	sld [smem:$0x3F9A]  }
0x1a: {  	s8 =	sadd.s32 $0xFFFFE003, lr  }
0x1b: {  	s9 =	sadd.s32 $0xFFFFFEF7, lr;
	s5 =	simm.s32 $0xFFFFFFFF;
	p2 =	slt.u32 s8, $0xFFFFF086  }
0x1c: {  	p1 =	slt.u32 s9, $0xF7A;
	s5 =	simm.s32 @!p2 $0x0  }
0x1d: {  	s5 =	simm.s32 @p1 $0x1;
	p0 =	seq.s32 s7, s2  }
0x1e: {  	s7 =	smul.u32 @!p0 $0xF7A, s2;
	p2 =	seq.s32 @!p0 s5, $0x0  }
0x1f: {  	s9 =	smul.u32 $0xF7A, s1;
	s8 =	simm.s32 @!p0 $0x1BF5;
	p2 =	por !p2, p0  }
0x20: {  	[sflag:s8] =	ssyncset.s32 @!p0 $0xFFFFF086;
	s6 =	sadd.s32 @!p0 s3, s7;
	s7 =	simm.s32 @!p0 $0x108  }
0x21: {  	s3 =	sadd.s32 s3, s9;
	s6 =	sadd.s32 @!p0 $0x88, s6;
	s7 =	simm.s32 @p2 $0x1082  }
0x22: {  	[simem:s7], [sflag:s8] =	dma.local @!p0 [hbm:s6], $0xF7A  }
0x23: {  	s9 =	sor.u32 $0xD0000000, s2;
	s6 =	simm.s32 $0x108;
	_ =	swait.ge @!p0 [sflag:s8], $0x0  }
0x24: {  	s3 =	sadd.s32 $0x88, s3;
	s6 =	simm.s32 @!p1 $0x1082;
	[sflag:s4] =	ssyncset.s32 $0xFFFFF086  }
0x25: {  	[simem:s6], [sflag:s4] =	dma.local [hbm:s3], $0xF7A  }
0x26: {  	[smem:$0x3F9A] =	sst s1;
	(tag) =	ssettag s2;
	_ =	strace s9  }
0x27: {  	s1 =	sld [smem:$0x3FAA]  }
0x28: {  	s2 =	sld [smem:$0x3FAB]  }
0x29: {  	s4 =	sld [smem:$0x3FAD]  }
0x2a: {  	p0 =	seq.s32 s5, $0x0;
	s5 =	sld [smem:$0x3FAE]  }
0x2b: {  	s6 =	sld [smem:$0x3FAF]  }
0x2c: {  	s7 =	sld [smem:$0x3FB0]  }
0x2d: {  	s3 =	simm.s32 $0x108;
	s8 =	sld [smem:$0x3FB1]  }
0x2e: {  	s3 =	simm.s32 @!p0 $0x1082;
	s9 =	sld [smem:$0x3FB2]  }
0x2f: {  	lr =	sadd.s32 s0, s3;
	s0 =	sld [smem:$0x3FA9]  }
0x30: {  	s3 =	sld [smem:$0x3FAC]  }
0x31: {  	[smem:$0x3FB5] =	sst s10  }
0x32: {  	s10 =	sld [smem:$0x3FB3];
	_ =	sdelay $0x3  }
0x33: {  	p0 =	seq.s32 s10, $0x1;
	s10 =	sld [smem:$0x3FB5];
	_ =	sdelay $0x3  }
0x34: {  	[smem:$0x3FB5] =	sst s10  }
0x35: {  	s10 =	sld [smem:$0x3FB4];
	_ =	sdelay $0x3  }
0x36: {  	p1 =	seq.s32 s10, $0x1;
	s10 =	sld [smem:$0x3FB5];
	_ =	sdelay $0x3  }
0x37: {  	[smem:$0x3FB5] =	sst s10  }
0x38: {  	s10 =	sld [smem:$0x3FB6]  }
0x39: {  	_ = 	snop;
	(pc) =	sbr.ind lr, $3  }
0x3a: {  	_ = 	snop  }
0x3b: {  	_ = 	snop  }
0x3c: {  	p2 =	seq.s32 s10, $0x1;
	s10 =	sld [smem:$0x3FB5]  }
0x3d: {  	_ =	shalt  }
0x3e: {  	_ =	shalt  }
0x3f: {  	_ =	shalt  }
0x40: {  	_ =	shalt  }
0x41: {  	_ =	shalt  }
0x42: {  	_ =	shalt  }
0x43: {  	_ =	shalt  }
0x44: {  	_ =	shalt  }
0x45: {  	_ =	shalt  }
0x46: {  	_ =	shalt  }
0x47: {  	_ =	shalt  }
0x48: {  	_ =	shalt  }
0x49: {  	_ =	shalt  }
0x4a: {  	_ =	shalt  }
0x4b: {  	_ =	shalt  }
0x4c: {  	_ =	shalt  }
0x4d: {  	_ =	shalt  }
0x4e: {  	_ =	shalt  }
0x4f: {  	_ =	shalt  }
0x50: {  	_ =	shalt  }
0x51: {  	_ =	shalt  }
0x52: {  	_ =	shalt  }
0x53: {  	_ =	shalt  }
0x54: {  	_ =	shalt  }
0x55: {  	_ =	shalt  }
0x56: {  	_ =	shalt  }
0x57: {  	_ =	shalt  }
0x58: {  	_ =	shalt  }
0x59: {  	_ =	shalt  }
0x5a: {  	_ =	shalt  }
0x5b: {  	_ =	shalt  }
0x5c: {  	_ =	shalt  }
0x5d: {  	_ =	shalt  }
0x5e: {  	_ =	shalt  }
0x5f: {  	_ =	shalt  }
0x60: {  	_ =	shalt  }
0x61: {  	_ =	shalt  }
0x62: {  	_ =	shalt  }
0x63: {  	_ =	shalt  }
0x64: {  	_ =	shalt  }
0x65: {  	_ =	shalt  }
0x66: {  	_ =	shalt  }
0x67: {  	_ =	shalt  }
0x68: {  	_ =	shalt  }
0x69: {  	_ =	shalt  }
0x6a: {  	_ =	shalt  }
0x6b: {  	_ =	shalt  }
0x6c: {  	_ =	shalt  }
0x6d: {  	_ =	shalt  }
0x6e: {  	_ =	shalt  }
0x6f: {  	_ =	shalt  }
0x70: {  	_ =	shalt  }
0x71: {  	_ =	shalt  }
0x72: {  	_ =	shalt  }
0x73: {  	_ =	shalt  }
0x74: {  	_ =	shalt  }
0x75: {  	_ =	shalt  }
0x76: {  	_ =	shalt  }
0x77: {  	_ =	shalt  }
0x78: {  	_ =	shalt  }
0x79: {  	_ =	shalt  }
0x7a: {  	_ =	shalt  }
0x7b: {  	_ =	shalt  }
0x7c: {  	_ =	shalt  }
0x7d: {  	_ =	shalt  }
0x7e: {  	_ =	shalt  }
0x7f: {  	_ =	shalt  }
0x80: {  	_ =	shalt  }
0x81: {  	_ =	shalt  }
0x82: {  	_ =	shalt  }
0x83: {  	_ =	shalt  }
0x84: {  	_ =	shalt  }
0x85: {  	_ =	shalt  }
0x86: {  	_ =	shalt  }
0x87: {  	_ =	shalt  }
.Lfunc_end0:
.L_simem_size_0:
called_computation_lowered:
.L_overlay_start_0:
0x88: {  	s2 =	sld [smem:$0x3FD9]  }
0x89: {  	s3 =	sld [smem:$0x3FFE];
	_ =	sdelay $0x1  }
0x8a: {  	s1 =	srdreg.scid  }
0x8b: {  	s0 =	sand.u32 $0x1, s1  }
0x8c: {  	s16 =	sshll.u32 s0, $0xA;
	s2 =	sadd.s32 s3, s2  }
0x8d: {  	s2 =	sadd.s32 s2, s16  }
0x8e: {  	[smem:$0x3FC1] =	sst s2  }
0x8f: {  	_ = 	snop  }
0x90: {  	(tm) =	ssettm $0x1  }
0x91: {  	s17 =	sld [smem:$0x3FFB];
	_ =	sdelay $0x3  }
0x92: {  	_ =	strace s17  }
0x93: {  	s2 =	sld [smem:$0x3FFC];
	_ =	sdelay $0x3  }
0x94: {  	_ =	strace s2  }
0x95: {  	s2 =	sld [smem:$0x3FFD];
	_ =	sdelay $0x3  }
0x96: {  	_ =	strace s2  }
0x97: {  	_ =	strace $0x8FFFFFFF  }
0x98: {  	s18 =	sld [smem:$0x3FDB];
	_ =	sdelay $0x1  }
0x99: {  	s19 =	simm.s32 $_scs_section_size  }
0x9a: {  	s4 =	simm.s32 $_size__tile_overlayer_lowered;
	s5 =	simm.s32 $_tile_overlayer_lowered  }
0x9b: {  	s22 =	simm.s32 $0x1BFF;
	s21 =	sshll.u32 s5, $0x1;
	s2 =	sadd.s32 s19, s18  }
0x9c: {  	s6 =	simm.s32 $0x0;
	s20 =	sshll.u32 s4, $0x1;
	s4 =	sadd.s32 s21, s2  }
0x9d: {  	[timem:s6], [sflag:s22] =	dma.local [hbm:s4], s20  }
0x9e: {  	_ =	swait.ge [sflag:s22], s20  }
0x9f: {  	s3 =	ssub.s32 $0x0, s20;
	[sflag:s22] =	ssyncset.done $0x0  }
0xa0: {  	[sflag:s22] =	ssyncadd.s32 s3;
	_ =	sdelay $0x1  }
0xa1: {  	s23 =	simm.s32 $0x1B8B  }
0xa2: {  	_ =	swait.ge [sflag:s23], $0x1  }
0xa3: {  	[sflag:s23] =	ssyncset.done $0x0  }
0xa4: {  	s25 =	simm.s32 $0x1B8E;
	s24 =	sld [smem:$0x3FFE];
	[sflag:s23] =	ssyncadd.s32 $0xFFFFFFFF  }
0xa5: {  	s26 =	simm.s32 $execute0_lowered;
	[smem:$0x3FD2] =	sst s25  }
0xa6: {  	s4 =	sshll.u32 s26, $0x1;
	_ =	strace $0x80000046;
	[dreg:$0x1] =	wrdreg $0xFFFFFFFF  }
0xa7: {  	s28 =	simm.s32 $_size_execute0_lowered;
	s2 =	sadd.s32 s2, s4;
	[dreg:$0x0] =	wrdreg $0x0  }
0xa8: {  	s4 =	sshll.u32 s28, $0x1;
	[dreg:$0x2] =	wrdreg s2  }
0xa9: {  	[dreg:$0x3] =	wrdreg s4  }
0xaa: {  	[dreg:$0x4] =	wrdreg $0xC0  }
0xab: {  	_ =	task [dreg:s6], $0x5FFFF  }
0xac: {  	[dreg:$0x1] =	wrdreg $0xFFFFFFFF  }
0xad: {  	[dreg:$0x0] =	wrdreg $0x60  }
0xae: {  	[dreg:$0x2] =	wrdreg s24  }
0xaf: {  	[dreg:$0x3] =	wrdreg $0x9  }
0xb0: {  	_ =	task.clear_ibuf [dreg:s6], $0x4FFFF;
	_ =	strace $0x90000046  }
0xb1: {  	s29 =	simm.s32 $0x9;
	_ =	strace $0x80000048  }
0xb2: {  	_ =	swait.ge [sflag:s29], $0x1  }
0xb3: {  	[sflag:s29] =	ssyncadd.s32 $0xFFFFFFFF  }
0xb4: {  	_ =	strace $0x90000048  }
0xb5: {  	_ =	sfence  }
0xb6: {  	s30 =	sld [smem:$0x0];
	_ =	sdelay $0x2  }
0xb7: {  	s31 =	sshll.u32 s1, $0xD;
	s1 =	sshrl.u32 s1, $0x2  }
0xb8: {  	s3 =	sand.u32 $0x4000, s31;
	s1 =	sadd.s32 s1, s30  }
0xb9: {  	s0 =	sor.u32 s3, s0;
	s1 =	sshll.u32 s1, $0x11  }
0xba: {  	s0 =	sor.u32 s1, s0  }
0xbb: {  	s0 =	sadd.s32 $0x8F2B, s0  }
0xbc: {  	[sflag:s0] =	ssyncadd.remote.s32 $0x1  }
0xbd: {  	_ =	sfence.sel $0xFFFF  }
0xbe: {  	[dreg:$0x0] =	wrdreg $0xFFFFFFFF;
	(pc) =	sbr.abs _section_cstart, $3  }
0xbf: {  	[dreg:$0x1] =	wrdreg $0xFFFFFFFF  }
0xc0: {  	_ =	task.clear_ibuf [dreg:s6], $0x2FFFF;
	_ =	strace $0x9FFFFFFF  }
0xc1: {  	(tm) =	ssettm $0x7FFFFFFF  }
tec
execute0_lowered:
.L_overlay_start_1:
0x0: {  	(tag) =	ssettag $0x1  }
0x1: {  	s0 =	srdreg.scid  }
0x2: {  	s3 =	sand.u32 $0x1, s0  }
0x3: {  	s0 =	stileid.u32;
	s1 =	sshll.u32 s3, $0x4  }
0x4: {  	s5 =	rddreg [dreg:$0x0];
	s2 =	simm.s32 $0x0;
	s1 =	sor.u32 s0, s1  }
0x5: {  	s7 =	simm.s32 $0x400;
	s8 =	simm.s32 $0x1;
	s1 =	sshrl.u32 s1, $0x3  }
0x6: {  	s9 =	simm.s32 $0x2780;
	s30 =	sshll.u32 s0, $0x7;
	s4 =	smul.u32 $0x13C00, s1  }
0x7: {  	s10 =	simm.s32 $0x0;
	s3 =	ssub.s32 $0x2, s3;
	s6 =	sand.u32 $0x380, s30  }
0x8: {  	[smem:$0x7FF] =	sst s2;
	s31 =	sshrl.u32 s3, $0x1;
	s4 =	sor.u32 s6, s4  }
0x9: {  	s1 =	rddreg [dreg:$0x1];
	_ =	strace $0x80000047;
	s4 =	sshrl.u32 s4, $0x3  }
0xa: {  	s6 =	simm.s32 $0x80;
	s4 =	sadd.s32 s4, s5;
	s5 =	ssub.s32 s3, s31  }
0xb: {  	v0 =	vimm.f32 $0.0e+00;
	v1 =	vimm.f32 $1.000000000e+00;
	s3 =	sadd.s32 $0x16000, s4;
	s4 =	sadd.s32 $0x1FE00, s4;
	s5 =	smax.u32 s5, $0x1  }
.LBB2_1:
0xc: {  	[tilespmem:s2], [sflag:$0x1] =	stream.strided.gather [hbm4b:s3+s6], $0x2780, s7, s6, $0x38;
	[tilespmem:$0x4F00] =	vst v63  }
0xd: {  	_ =	swait.ge [sflag:s8], $0x2780  }
0xe: {  	[sflag:s8] =	ssyncset.done $0x0  }
0xf: {  	s11 =	simm.s32 $0x27C0;
	[sflag:s8] =	ssyncadd.s32 $0xFFFFD880  }
0x10: {  	[tilespmem:s11+$0xFFFFFFC0] =	vst v0  }
0x11: {  	[tilespmem:s11+$0x30] =	vst v0  }
0x12: {  	[tilespmem:s11+$0x20] =	vst v0  }
0x13: {  	[tilespmem:s11+$0x10] =	vst v0  }
0x14: {  	[tilespmem:s11+$0x0] =	vst v0  }
0x15: {  	[tilespmem:s11+$0xFFFFFFF0] =	vst v0  }
0x16: {  	s12 =	simm.s32 $0x0;
	[tilespmem:s11+$0xFFFFFFE0] =	vst v0  }
.LBB2_2:
0x17: {  	s12 =	sadd.s32 $0x8, s12;
	[tilespmem:s11+$0xFFFFFFD0] =	vst v0;
	s11 =	sadd.s32 $0x80, s11  }
0x18: {  	[tilespmem:s11+$0xFFFFFFC0] =	vst v0;
	p0 =	slt.u32 s12, $0x268  }
0x19: {  	[tilespmem:s11+$0x30] =	vst v0  }
.Ltmp0:
0x1a: {  	[tilespmem:s11+$0x20] =	vst v0;
	(pc) =	sbr.rel @p0 .LBB2_2-.Ltmp0, $4  }
0x1b: {  	[tilespmem:s11+$0x10] =	vst v0  }
0x1c: {  	[tilespmem:s11+$0x0] =	vst v0  }
0x1d: {  	[tilespmem:s11+$0xFFFFFFF0] =	vst v0  }
0x1e: {  	[tilespmem:s11+$0xFFFFFFE0] =	vst v0  }
0x1f: {  	[tilespmem:s11+$0xFFFFFFD0] =	vst v0  }
0x20: {  	s11 =	simm.s32 $0xFFFFFFF8;
	s12 =	simm.s32 $0x40;
	[tilespmem:$0x4E80] =	vst v0  }
.LBB2_4:
0x21: {  	v2 =	vld [tilespmem:s12+$0xFFFFFFC0];
	_ =	sdelay $0x7  }
0x22: {  	[tilespmem:v2+s9+$0x0] =	vst.idx.add.f32.msk $0xffff, v1  }
0x23: {  	v2 =	vld [tilespmem:s12+$0xFFFFFFD0];
	_ =	sdelay $0x7  }
0x24: {  	[tilespmem:v2+s9+$0x0] =	vst.idx.add.f32.msk $0xffff, v1  }
0x25: {  	v2 =	vld [tilespmem:s12+$0xFFFFFFE0];
	_ =	sdelay $0x7  }
0x26: {  	[tilespmem:v2+s9+$0x0] =	vst.idx.add.f32.msk $0xffff, v1  }
0x27: {  	v2 =	vld [tilespmem:s12+$0xFFFFFFF0];
	_ =	sdelay $0x7  }
0x28: {  	[tilespmem:v2+s9+$0x0] =	vst.idx.add.f32.msk $0xffff, v1  }
0x29: {  	v2 =	vld [tilespmem:s12+$0x0];
	_ =	sdelay $0x7  }
0x2a: {  	[tilespmem:v2+s9+$0x0] =	vst.idx.add.f32.msk $0xffff, v1  }
0x2b: {  	v2 =	vld [tilespmem:s12+$0x10];
	_ =	sdelay $0x7  }
0x2c: {  	[tilespmem:v2+s9+$0x0] =	vst.idx.add.f32.msk $0xffff, v1  }
0x2d: {  	v2 =	vld [tilespmem:s12+$0x20];
	_ =	sdelay $0x7  }
0x2e: {  	[tilespmem:v2+s9+$0x0] =	vst.idx.add.f32.msk $0xffff, v1  }
0x2f: {  	v2 =	vld [tilespmem:s12+$0x30];
	_ =	sdelay $0x1  }
0x30: {  	s11 =	sadd.s32 $0x8, s11  }
0x31: {  	p0 =	slt.u32 s11, $0x268  }
.Ltmp1:
0x32: {  	_ = 	snop;
	(pc) =	sbr.rel @p0 .LBB2_4-.Ltmp1, $2  }
0x33: {  	_ =	sdelay $0x2  }
0x34: {  	s12 =	sadd.s32 $0x80, s12;
	[tilespmem:v2+s9+$0x0] =	vst.idx.add.f32.msk $0xffff, v1  }
0x35: {  	v2 =	vld [tilespmem:$0x2700];
	_ =	sdelay $0x5  }
0x36: {  	s10 =	sadd.s32 $0x1, s10  }
0x37: {  	p0 =	sne.s32 s10, s5  }
.Ltmp2:
0x38: {  	[tilespmem:v2+s9+$0x0] =	vst.idx.add.f32.msk $0xffff, v1;
	(pc) =	sbr.rel @p0 .LBB2_1-.Ltmp2, $4  }
0x39: {  	[hbm4b:s4+s6] =	stream.strided.scatter [tilespmem:s9], [sflag:$0x1], $0x2780, s7, s6, $0x38;
	[tilespmem:$0x4F00] =	vst v63  }
0x3a: {  	_ =	swait.ge [sflag:s8], $0x2780  }
0x3b: {  	[sflag:s8] =	ssyncset.done $0x0  }
0x3c: {  	[sflag:s8] =	ssyncadd.s32 $0xFFFFD880  }
0x3d: {  	_ =	sfence.sel $0x180000  }
0x3e: {  	[bflag:$0x0] =	sbarrier.arrive $0xFFFF  }
0x3f: {  	p0 =	sne.s32 s0, $0x0;
	_ =	strace $0x90000047  }
0x40: {  	s0 =	sadd.s32 @!p0 $0x100000, s1;
	[bflag:$0x2] =	sbarrier.arrive $0xFFFF  }
0x41: {  	[sflag:s0] =	ssyncadd.tile.s32 @!p0 $0x1;
	_ =	shalt  }
.Lfunc_end2:
_tile_overlayer_lowered:
.L_overlay_start_2:
0x42: {  	(tag) =	ssettag $0x2  }
0x43: {  	s0 =	rddreg [dreg:$0x0];
	s2 =	stileid.u32  }
0x44: {  	s1 =	rddreg [dreg:$0x1];
	p0 =	sne.s32 s2, $0x0  }
0x45: {  	s3 =	rddreg [dreg:$0x2];
	[bflag:$0x3] =	sbarrier.arrive $0xFFFF;
	s2 =	simm.s32 @!p0 $0x1C01  }
0x46: {  	[timem:s3], [sflag:s2] =	dma.local @!p0 [hbm:s0], s1  }
0x47: {  	s0 =	simm.s32 @!p0 $0x1  }
0x48: {  	_ =	swait.ge @!p0 [sflag:s0], s1  }
0x49: {  	s1 =	ssub.s32 @!p0 $0x0, s1;
	[sflag:s0] =	ssyncset.done @!p0 $0x0  }
0x4a: {  	[sflag:s0] =	ssyncadd.s32 @!p0 s1  }
0x4b: {  	[bflag:$0x3] =	sbarrier.arrive $0xFFFF  }
0x4c: {  	_ =	shalt  }

</sc_bundles>
